<compile_context>
chip_gen: v7x
topology: tpu7x:2x2x1
jax: 0.10.2.dev20260603
libtpu: 0.0.44.dev20260713+nightly
codegen_flags: <defaults>
</compile_context>

<pallas_src>
import functools

import jax
import jax.numpy as jnp
from jax import lax
from jax.experimental import pallas as pl
from jax.experimental.pallas import tpu as pltpu
from jax.experimental.pallas import tpu_sc as plsc

B, Q, N = 64, 32, 4096
R = B * Q
NC, NS, L = 2, 16, 16
NW = NC * NS
RB = 8
NCT = N // 128
GSZ = RB * N
UNROLL = 4

RS = 512
RT = R - RS
SC_ROWS_PER_W = RS // NW
SC_NBATCH = SC_ROWS_PER_W // RB
TC_BLK = 256

_IBIG = 0x7FFFFFFF



def _group_scan(buf):
    best0 = tuple(jnp.full((L,), jnp.inf, jnp.float32) for _ in range(RB))
    bidx0 = tuple(jnp.zeros((L,), jnp.int32) for _ in range(RB))
    tv0 = jnp.zeros((L,), jnp.int32)

    def body(s, carry):
        best, bidx, tv = carry
        best, bidx = list(best), list(bidx)
        base = (s // 2) * (RB * 128) + (s % 2) * (UNROLL * L)
        for ju in range(UNROLL):
            tvu = tv + ju
            for r in range(RB):
                v = buf[pl.ds(base + r * 128 + ju * L, L)]
                m = v < best[r]
                best[r] = jnp.where(m, v, best[r])
                bidx[r] = jnp.where(m, tvu, bidx[r])
        return tuple(best), tuple(bidx), tv + UNROLL

    best, bidx, _ = lax.fori_loop(0, NCT * 2, body, (best0, bidx0, tv0))
    return best, bidx


def _finalize(best, bidx, lanes, parity, res):
    for r in range(RB):
        iabs = bidx[r] * L + lanes
        vmin = jnp.min(best[r])
        cand = jnp.where(best[r] == vmin, iabs, _IBIG)
        imin = jnp.min(cand)
        res = jnp.where(lanes == parity * RB + r, imin, res)
    return res


def _tec_body(x_hbm, out_hbm, buf_a, buf_b, out_v, sem_a, sem_b):
    wid = lax.axis_index("s") * NC + lax.axis_index("c")
    row0 = RT + wid * SC_ROWS_PER_W
    bufs = (buf_a, buf_b)
    sems = (sem_a, sem_b)
    lanes = jnp.arange(L, dtype=jnp.int32)
    copies = {}

    def start(i):
        src = x_hbm.at[pl.ds((row0 + i * RB) * N, GSZ)]
        copies[i] = pltpu.async_copy(src, bufs[i % 2], sems[i % 2])

    start(0)
    res = jnp.zeros((L,), jnp.int32)
    for i in range(SC_NBATCH):
        if i + 1 < SC_NBATCH:
            start(i + 1)
        copies[i].wait()
        best, bidx = _group_scan(bufs[i % 2])
        res = _finalize(best, bidx, lanes, i % 2, res)
        if i % 2 == 1 or i == SC_NBATCH - 1:
            out_v[pl.ds((i // 2) * L, L)] = res
    nout = SC_ROWS_PER_W
    pltpu.sync_copy(out_v.at[pl.ds(0, nout)],
                    out_hbm.at[pl.ds(wid * nout, nout)])


@functools.cache
def _build_sc():
    nvout = ((SC_NBATCH + 1) // 2) * L
    return pl.kernel(
        _tec_body,
        out_type=jax.ShapeDtypeStruct((RS,), jnp.int32),
        mesh=plsc.VectorSubcoreMesh(
            core_axis_name="c", subcore_axis_name="s",
            num_cores=NC, num_subcores=NS),
        compiler_params=pltpu.CompilerParams(
            use_tc_tiling_on_sc=False, needs_layout_passes=False),
        scratch_types=[
            pltpu.VMEM((GSZ,), jnp.float32),
            pltpu.VMEM((GSZ,), jnp.float32),
            pltpu.VMEM((nvout,), jnp.int32),
            pltpu.SemaphoreType.DMA,
            pltpu.SemaphoreType.DMA,
        ],
    )



def _tc_body(x_ref, o_ref):
    xb = x_ref[...]
    o_ref[0, 0, :] = jnp.argmin(xb, axis=1).astype(jnp.int32)


@functools.cache
def _build_tc():
    grid = RT // TC_BLK
    return pl.pallas_call(
        _tc_body,
        grid=(grid,),
        in_specs=[pl.BlockSpec((TC_BLK, N), lambda i: (i, 0))],
        out_specs=pl.BlockSpec((1, 1, TC_BLK), lambda i: (i, 0, 0)),
        out_shape=jax.ShapeDtypeStruct((grid, 1, TC_BLK), jnp.int32),
    )


def kernel(x):
    x2 = x.reshape(R, N)
    y = (x.reshape(B, Q // RB, RB, NCT, 128)
         .transpose(0, 1, 3, 2, 4)
         .reshape(R * N))
    out_sc = _build_sc()(y)
    out_tc = _build_tc()(x2).reshape(RT)
    out = jnp.concatenate([out_tc, out_sc])
    return out.reshape(B, Q).astype(jnp.int64)

# --- scband reference (transcript-rebuilt; emitter-appended) ---
"""Pipeline reference for scband-model-new-4810363372125 (READ-ONLY COPY).

The authoritative reference and input builder live on the scoring server;
editing this copy changes nothing except your own understanding.
"""

import jax, jax.numpy as jnp
import numpy as np

DIM = 2

def setup_inputs(seed: int = 0) -> dict:
    key = jax.random.key(seed)
    x = jax.random.normal(key, (64, 32, 4096), dtype=jnp.float32)
    return {"x": x}

def reference(x):
    # Faithful semantics of the module: argmin of a 3D tensor along self.dim,
    # returning int64 indices of shape [B, Q] (dim=2 reduced).
    return jnp.argmin(x, axis=DIM).astype(jnp.int64)

if __name__ == "__main__":
    import jax
    _d = setup_inputs()
    print(jax.jit(kernel)(*tuple(_d.values())))

</pallas_src>

<mosaic_0001>
#map = affine_map<(d0, d1) -> (0)>
module attributes {stable_mosaic.version = 14 : i64} {
  func.func @_tec_body(%arg0: i32, %arg1: i32, %arg2: memref<8388608xf32, #tpu.memory_space<hbm>>, %arg3: memref<512xi32, #tpu.memory_space<hbm>>, %arg4: memref<32768xf32, #tpu.memory_space<vmem>>, %arg5: memref<32768xf32, #tpu.memory_space<vmem>>, %arg6: memref<16xi32, #tpu.memory_space<vmem>>, %arg7: memref<!tpu.dma_semaphore, #tpu.memory_space<semaphore_mem>>, %arg8: memref<!tpu.dma_semaphore, #tpu.memory_space<semaphore_mem>>) attributes {dimension_semantics = [#tpu.dimension_semantics<core_parallel>, #tpu.dimension_semantics<subcore_parallel>], iteration_bounds = array<i64: 2, 16>, scalar_prefetch = 0 : i64, scratch_operands = 5 : i64, tpu.core_type = #tpu.core_type<sc_vector_subcore>, window_params = [{transform_indices = #map}, {transform_indices = #map}]} {
    %mul3A = arith.constant 2 : i32
    %mul3A_0 = arith.muli %arg1, %mul3A : i32
    %add3A = arith.addi %mul3A_0, %arg0 : i32
    %mul3A_1 = arith.constant 16 : i32
    %mul3A_2 = arith.muli %add3A, %mul3A_1 : i32
    %add3A_3 = arith.constant 1536 : i32
    %add3A_4 = arith.addi %add3A_3, %mul3A_2 : i32
    %iota3A = tpu.iota {dimensions = array<i32: 0>} : vector<16xi32>
    %add3A_5 = arith.constant 0 : i32
    %add3A_6 = arith.addi %add3A_4, %add3A_5 : i32
    %mul3A_7 = arith.constant 4096 : i32
    %mul3A_8 = arith.muli %add3A_6, %mul3A_7 : i32
    %dma_start3A = tpu.memref_slice %arg2[%mul3A_8] : memref<8388608xf32, #tpu.memory_space<hbm>> -> memref<32768xf32, #tpu.memory_space<hbm>>
    %dma_start3A_9 = tpu.memref_slice %arg2[%mul3A_8] : memref<8388608xf32, #tpu.memory_space<hbm>> -> memref<32768xf32, #tpu.memory_space<hbm>>
    tpu.enqueue_dma source(%dma_start3A_9 : memref<32768xf32, #tpu.memory_space<hbm>>) target(%arg4 : memref<32768xf32, #tpu.memory_space<vmem>>) target_semaphore(%arg7 : memref<!tpu.dma_semaphore, #tpu.memory_space<semaphore_mem>>)
    %broadcast_in_dim3A = arith.constant 0 : i32
    %broadcast_in_dim3A_10 = vector.broadcast %broadcast_in_dim3A : i32 to vector<16xi32>
    %add3A_11 = arith.constant 8 : i32
    %add3A_12 = arith.addi %add3A_4, %add3A_11 : i32
    %mul3A_13 = arith.constant 4096 : i32
    %mul3A_14 = arith.muli %add3A_12, %mul3A_13 : i32
    %dma_start3A_15 = tpu.memref_slice %arg2[%mul3A_14] : memref<8388608xf32, #tpu.memory_space<hbm>> -> memref<32768xf32, #tpu.memory_space<hbm>>
    %dma_start3A_16 = tpu.memref_slice %arg2[%mul3A_14] : memref<8388608xf32, #tpu.memory_space<hbm>> -> memref<32768xf32, #tpu.memory_space<hbm>>
    tpu.enqueue_dma source(%dma_start3A_16 : memref<32768xf32, #tpu.memory_space<hbm>>) target(%arg5 : memref<32768xf32, #tpu.memory_space<vmem>>) target_semaphore(%arg8 : memref<!tpu.dma_semaphore, #tpu.memory_space<semaphore_mem>>)
    %dma_wait3A = tpu.memref_slice %arg2[%mul3A_8] : memref<8388608xf32, #tpu.memory_space<hbm>> -> memref<32768xf32, #tpu.memory_space<hbm>>
    %dma_wait3A_17 = tpu.memref_slice %arg2[%mul3A_8] : memref<8388608xf32, #tpu.memory_space<hbm>> -> memref<32768xf32, #tpu.memory_space<hbm>>
    tpu.wait_dma2 semaphore(%arg7 : memref<!tpu.dma_semaphore, #tpu.memory_space<semaphore_mem>>) src(%dma_wait3A_17 : memref<32768xf32, #tpu.memory_space<hbm>>) dst(%arg4 : memref<32768xf32, #tpu.memory_space<vmem>>)
    %broadcast_in_dim3A_18 = arith.constant 0x7F800000 : f32
    %broadcast_in_dim3A_19 = vector.broadcast %broadcast_in_dim3A_18 : f32 to vector<16xf32>
    %broadcast_in_dim3A_20 = arith.constant 0x7F800000 : f32
    %broadcast_in_dim3A_21 = vector.broadcast %broadcast_in_dim3A_20 : f32 to vector<16xf32>
    %broadcast_in_dim3A_22 = arith.constant 0x7F800000 : f32
    %broadcast_in_dim3A_23 = vector.broadcast %broadcast_in_dim3A_22 : f32 to vector<16xf32>
    %broadcast_in_dim3A_24 = arith.constant 0x7F800000 : f32
    %broadcast_in_dim3A_25 = vector.broadcast %broadcast_in_dim3A_24 : f32 to vector<16xf32>
    %broadcast_in_dim3A_26 = arith.constant 0x7F800000 : f32
    %broadcast_in_dim3A_27 = vector.broadcast %broadcast_in_dim3A_26 : f32 to vector<16xf32>
    %broadcast_in_dim3A_28 = arith.constant 0x7F800000 : f32
    %broadcast_in_dim3A_29 = vector.broadcast %broadcast_in_dim3A_28 : f32 to vector<16xf32>
    %broadcast_in_dim3A_30 = arith.constant 0x7F800000 : f32
    %broadcast_in_dim3A_31 = vector.broadcast %broadcast_in_dim3A_30 : f32 to vector<16xf32>
    %broadcast_in_dim3A_32 = arith.constant 0x7F800000 : f32
    %broadcast_in_dim3A_33 = vector.broadcast %broadcast_in_dim3A_32 : f32 to vector<16xf32>
    %broadcast_in_dim3A_34 = arith.constant 0 : i32
    %broadcast_in_dim3A_35 = vector.broadcast %broadcast_in_dim3A_34 : i32 to vector<16xi32>
    %broadcast_in_dim3A_36 = arith.constant 0 : i32
    %broadcast_in_dim3A_37 = vector.broadcast %broadcast_in_dim3A_36 : i32 to vector<16xi32>
    %broadcast_in_dim3A_38 = arith.constant 0 : i32
    %broadcast_in_dim3A_39 = vector.broadcast %broadcast_in_dim3A_38 : i32 to vector<16xi32>
    %broadcast_in_dim3A_40 = arith.constant 0 : i32
    %broadcast_in_dim3A_41 = vector.broadcast %broadcast_in_dim3A_40 : i32 to vector<16xi32>
    %broadcast_in_dim3A_42 = arith.constant 0 : i32
    %broadcast_in_dim3A_43 = vector.broadcast %broadcast_in_dim3A_42 : i32 to vector<16xi32>
    %broadcast_in_dim3A_44 = arith.constant 0 : i32
    %broadcast_in_dim3A_45 = vector.broadcast %broadcast_in_dim3A_44 : i32 to vector<16xi32>
    %broadcast_in_dim3A_46 = arith.constant 0 : i32
    %broadcast_in_dim3A_47 = vector.broadcast %broadcast_in_dim3A_46 : i32 to vector<16xi32>
    %broadcast_in_dim3A_48 = arith.constant 0 : i32
    %broadcast_in_dim3A_49 = vector.broadcast %broadcast_in_dim3A_48 : i32 to vector<16xi32>
    %broadcast_in_dim3A_50 = arith.constant 0 : i32
    %broadcast_in_dim3A_51 = vector.broadcast %broadcast_in_dim3A_50 : i32 to vector<16xi32>
    %scan3A = arith.constant 0 : i32
    %scan3A_52 = arith.constant 64 : i32
    %scan3A_53 = arith.addi %scan3A, %scan3A_52 : i32
    %scan3A_54 = arith.constant 1 : i32
    %scan3A_55:17 = scf.for %scan3A_514 = %scan3A to %scan3A_53 step %scan3A_54 iter_args(%scan3A_515 = %broadcast_in_dim3A_19, %scan3A_516 = %broadcast_in_dim3A_21, %scan3A_517 = %broadcast_in_dim3A_23, %scan3A_518 = %broadcast_in_dim3A_25, %scan3A_519 = %broadcast_in_dim3A_27, %scan3A_520 = %broadcast_in_dim3A_29, %scan3A_521 = %broadcast_in_dim3A_31, %scan3A_522 = %broadcast_in_dim3A_33, %scan3A_523 = %broadcast_in_dim3A_35, %scan3A_524 = %broadcast_in_dim3A_37, %scan3A_525 = %broadcast_in_dim3A_39, %scan3A_526 = %broadcast_in_dim3A_41, %scan3A_527 = %broadcast_in_dim3A_43, %scan3A_528 = %broadcast_in_dim3A_45, %scan3A_529 = %broadcast_in_dim3A_47, %scan3A_530 = %broadcast_in_dim3A_49, %scan3A_531 = %broadcast_in_dim3A_51) -> (vector<16xf32>, vector<16xf32>, vector<16xf32>, vector<16xf32>, vector<16xf32>, vector<16xf32>, vector<16xf32>, vector<16xf32>, vector<16xi32>, vector<16xi32>, vector<16xi32>, vector<16xi32>, vector<16xi32>, vector<16xi32>, vector<16xi32>, vector<16xi32>, vector<16xi32>)  : i32 {
      %jit3A_532 = arith.constant 2 : i32
      %div3A = arith.divsi %scan3A_514, %jit3A_532 : i32
      %sign3A = arith.constant 0 : i32
      %sign3A_533 = arith.cmpi sgt, %scan3A_514, %sign3A : i32
      %sign3A_534 = arith.extui %sign3A_533 : i1 to i32
      %sign3A_535 = arith.constant 0 : i32
      %sign3A_536 = arith.cmpi slt, %scan3A_514, %sign3A_535 : i32
      %sign3A_537 = arith.extui %sign3A_536 : i1 to i32
      %sign3A_538 = arith.subi %sign3A_534, %sign3A_537 : i32
      %sign3A_539 = arith.constant 0 : i32
      %sign3A_540 = arith.cmpi sgt, %jit3A_532, %sign3A_539 : i32
      %sign3A_541 = arith.extui %sign3A_540 : i1 to i32
      %sign3A_542 = arith.constant 0 : i32
      %sign3A_543 = arith.cmpi slt, %jit3A_532, %sign3A_542 : i32
      %sign3A_544 = arith.extui %sign3A_543 : i1 to i32
      %sign3A_545 = arith.subi %sign3A_541, %sign3A_544 : i32
      %ne3A = arith.cmpi ne, %sign3A_538, %sign3A_545 : i32
      %rem3A = arith.remsi %scan3A_514, %jit3A_532 : i32
      %ne3A_546 = arith.constant 0 : i32
      %ne3A_547 = arith.cmpi ne, %rem3A, %ne3A_546 : i32
      %and3A = arith.andi %ne3A, %ne3A_547 : i1
      %sub3A = arith.constant 1 : i32
      %sub3A_548 = arith.subi %div3A, %sub3A : i32
      %select_n3A_549 = arith.select %and3A, %sub3A_548, %div3A : i32
      %mul3A_550 = arith.constant 1024 : i32
      %mul3A_551 = arith.muli %select_n3A_549, %mul3A_550 : i32
      %jit3A_552 = arith.constant 2 : i32
      %eq3A_553 = arith.constant 0 : i32
      %eq3A_554 = arith.cmpi eq, %jit3A_552, %eq3A_553 : i32
      %jit3A_555 = arith.constant 1 : i32
      %select_n3A_556 = arith.select %eq3A_554, %jit3A_555, %jit3A_552 : i32
      %rem3A_557 = arith.remsi %scan3A_514, %select_n3A_556 : i32
      %ne3A_558 = arith.constant 0 : i32
      %ne3A_559 = arith.cmpi ne, %rem3A_557, %ne3A_558 : i32
      %lt3A = arith.constant 0 : i32
      %lt3A_560 = arith.cmpi slt, %rem3A_557, %lt3A : i32
      %lt3A_561 = arith.constant 0 : i32
      %lt3A_562 = arith.cmpi slt, %select_n3A_556, %lt3A_561 : i32
      %ne3A_563 = arith.xori %lt3A_560, %lt3A_562 : i1
      %and3A_564 = arith.andi %ne3A_563, %ne3A_559 : i1
      %add3A_565 = arith.addi %rem3A_557, %select_n3A_556 : i32
      %select_n3A_566 = arith.select %and3A_564, %add3A_565, %rem3A_557 : i32
      %mul3A_567 = arith.constant 64 : i32
      %mul3A_568 = arith.muli %select_n3A_566, %mul3A_567 : i32
      %add3A_569 = arith.addi %mul3A_551, %mul3A_568 : i32
      %add3A_570 = arith.constant 0 : i32
      %add3A_571 = vector.broadcast %add3A_570 : i32 to vector<16xi32>
      %add3A_572 = arith.addi %scan3A_531, %add3A_571 : vector<16xi32>
      %add3A_573 = arith.constant 0 : i32
      %add3A_574 = arith.addi %add3A_569, %add3A_573 : i32
      %add3A_575 = arith.constant 0 : i32
      %add3A_576 = arith.addi %add3A_574, %add3A_575 : i32
      %get3A = arith.index_cast %add3A_576 : i32 to index
      %get3A_577 = tpu.vector_load %arg4[%get3A] {strides = array<i32>} : memref<32768xf32, #tpu.memory_space<vmem>>, vector<16xf32>,
      %lt3A_578 = arith.cmpf olt, %get3A_577, %scan3A_515 : vector<16xf32>
      %select_n3A_579 = arith.select %lt3A_578, %get3A_577, %scan3A_515 : vector<16xi1>, vector<16xf32>
      %select_n3A_580 = arith.select %lt3A_578, %add3A_572, %scan3A_523 : vector<16xi1>, vector<16xi32>
      %add3A_581 = arith.constant 128 : i32
      %add3A_582 = arith.addi %add3A_569, %add3A_581 : i32
      %add3A_583 = arith.constant 0 : i32
      %add3A_584 = arith.addi %add3A_582, %add3A_583 : i32
      %get3A_585 = arith.index_cast %add3A_584 : i32 to index
      %get3A_586 = tpu.vector_load %arg4[%get3A_585] {strides = array<i32>} : memref<32768xf32, #tpu.memory_space<vmem>>, vector<16xf32>,
      %lt3A_587 = arith.cmpf olt, %get3A_586, %scan3A_516 : vector<16xf32>
      %select_n3A_588 = arith.select %lt3A_587, %get3A_586, %scan3A_516 : vector<16xi1>, vector<16xf32>
      %select_n3A_589 = arith.select %lt3A_587, %add3A_572, %scan3A_524 : vector<16xi1>, vector<16xi32>
      %add3A_590 = arith.constant 256 : i32
      %add3A_591 = arith.addi %add3A_569, %add3A_590 : i32
      %add3A_592 = arith.constant 0 : i32
      %add3A_593 = arith.addi %add3A_591, %add3A_592 : i32
      %get3A_594 = arith.index_cast %add3A_593 : i32 to index
      %get3A_595 = tpu.vector_load %arg4[%get3A_594] {strides = array<i32>} : memref<32768xf32, #tpu.memory_space<vmem>>, vector<16xf32>,
      %lt3A_596 = arith.cmpf olt, %get3A_595, %scan3A_517 : vector<16xf32>
      %select_n3A_597 = arith.select %lt3A_596, %get3A_595, %scan3A_517 : vector<16xi1>, vector<16xf32>
      %select_n3A_598 = arith.select %lt3A_596, %add3A_572, %scan3A_525 : vector<16xi1>, vector<16xi32>
      %add3A_599 = arith.constant 384 : i32
      %add3A_600 = arith.addi %add3A_569, %add3A_599 : i32
      %add3A_601 = arith.constant 0 : i32
      %add3A_602 = arith.addi %add3A_600, %add3A_601 : i32
      %get3A_603 = arith.index_cast %add3A_602 : i32 to index
      %get3A_604 = tpu.vector_load %arg4[%get3A_603] {strides = array<i32>} : memref<32768xf32, #tpu.memory_space<vmem>>, vector<16xf32>,
      %lt3A_605 = arith.cmpf olt, %get3A_604, %scan3A_518 : vector<16xf32>
      %select_n3A_606 = arith.select %lt3A_605, %get3A_604, %scan3A_518 : vector<16xi1>, vector<16xf32>
      %select_n3A_607 = arith.select %lt3A_605, %add3A_572, %scan3A_526 : vector<16xi1>, vector<16xi32>
      %add3A_608 = arith.constant 512 : i32
      %add3A_609 = arith.addi %add3A_569, %add3A_608 : i32
      %add3A_610 = arith.constant 0 : i32
      %add3A_611 = arith.addi %add3A_609, %add3A_610 : i32
      %get3A_612 = arith.index_cast %add3A_611 : i32 to index
      %get3A_613 = tpu.vector_load %arg4[%get3A_612] {strides = array<i32>} : memref<32768xf32, #tpu.memory_space<vmem>>, vector<16xf32>,
      %lt3A_614 = arith.cmpf olt, %get3A_613, %scan3A_519 : vector<16xf32>
      %select_n3A_615 = arith.select %lt3A_614, %get3A_613, %scan3A_519 : vector<16xi1>, vector<16xf32>
      %select_n3A_616 = arith.select %lt3A_614, %add3A_572, %scan3A_527 : vector<16xi1>, vector<16xi32>
      %add3A_617 = arith.constant 640 : i32
      %add3A_618 = arith.addi %add3A_569, %add3A_617 : i32
      %add3A_619 = arith.constant 0 : i32
      %add3A_620 = arith.addi %add3A_618, %add3A_619 : i32
      %get3A_621 = arith.index_cast %add3A_620 : i32 to index
      %get3A_622 = tpu.vector_load %arg4[%get3A_621] {strides = array<i32>} : memref<32768xf32, #tpu.memory_space<vmem>>, vector<16xf32>,
      %lt3A_623 = arith.cmpf olt, %get3A_622, %scan3A_520 : vector<16xf32>
      %select_n3A_624 = arith.select %lt3A_623, %get3A_622, %scan3A_520 : vector<16xi1>, vector<16xf32>
      %select_n3A_625 = arith.select %lt3A_623, %add3A_572, %scan3A_528 : vector<16xi1>, vector<16xi32>
      %add3A_626 = arith.constant 768 : i32
      %add3A_627 = arith.addi %add3A_569, %add3A_626 : i32
      %add3A_628 = arith.constant 0 : i32
      %add3A_629 = arith.addi %add3A_627, %add3A_628 : i32
      %get3A_630 = arith.index_cast %add3A_629 : i32 to index
      %get3A_631 = tpu.vector_load %arg4[%get3A_630] {strides = array<i32>} : memref<32768xf32, #tpu.memory_space<vmem>>, vector<16xf32>,
      %lt3A_632 = arith.cmpf olt, %get3A_631, %scan3A_521 : vector<16xf32>
      %select_n3A_633 = arith.select %lt3A_632, %get3A_631, %scan3A_521 : vector<16xi1>, vector<16xf32>
      %select_n3A_634 = arith.select %lt3A_632, %add3A_572, %scan3A_529 : vector<16xi1>, vector<16xi32>
      %add3A_635 = arith.constant 896 : i32
      %add3A_636 = arith.addi %add3A_569, %add3A_635 : i32
      %add3A_637 = arith.constant 0 : i32
      %add3A_638 = arith.addi %add3A_636, %add3A_637 : i32
      %get3A_639 = arith.index_cast %add3A_638 : i32 to index
      %get3A_640 = tpu.vector_load %arg4[%get3A_639] {strides = array<i32>} : memref<32768xf32, #tpu.memory_space<vmem>>, vector<16xf32>,
      %lt3A_641 = arith.cmpf olt, %get3A_640, %scan3A_522 : vector<16xf32>
      %select_n3A_642 = arith.select %lt3A_641, %get3A_640, %scan3A_522 : vector<16xi1>, vector<16xf32>
      %select_n3A_643 = arith.select %lt3A_641, %add3A_572, %scan3A_530 : vector<16xi1>, vector<16xi32>
      %add3A_644 = arith.constant 1 : i32
      %add3A_645 = vector.broadcast %add3A_644 : i32 to vector<16xi32>
      %add3A_646 = arith.addi %scan3A_531, %add3A_645 : vector<16xi32>
      %add3A_647 = arith.constant 0 : i32
      %add3A_648 = arith.addi %add3A_569, %add3A_647 : i32
      %add3A_649 = arith.constant 16 : i32
      %add3A_650 = arith.addi %add3A_648, %add3A_649 : i32
      %get3A_651 = arith.index_cast %add3A_650 : i32 to index
      %get3A_652 = tpu.vector_load %arg4[%get3A_651] {strides = array<i32>} : memref<32768xf32, #tpu.memory_space<vmem>>, vector<16xf32>,
      %lt3A_653 = arith.cmpf olt, %get3A_652, %select_n3A_579 : vector<16xf32>
      %select_n3A_654 = arith.select %lt3A_653, %get3A_652, %select_n3A_579 : vector<16xi1>, vector<16xf32>
      %select_n3A_655 = arith.select %lt3A_653, %add3A_646, %select_n3A_580 : vector<16xi1>, vector<16xi32>
      %add3A_656 = arith.constant 128 : i32
      %add3A_657 = arith.addi %add3A_569, %add3A_656 : i32
      %add3A_658 = arith.constant 16 : i32
      %add3A_659 = arith.addi %add3A_657, %add3A_658 : i32
      %get3A_660 = arith.index_cast %add3A_659 : i32 to index
      %get3A_661 = tpu.vector_load %arg4[%get3A_660] {strides = array<i32>} : memref<32768xf32, #tpu.memory_space<vmem>>, vector<16xf32>,
      %lt3A_662 = arith.cmpf olt, %get3A_661, %select_n3A_588 : vector<16xf32>
      %select_n3A_663 = arith.select %lt3A_662, %get3A_661, %select_n3A_588 : vector<16xi1>, vector<16xf32>
      %select_n3A_664 = arith.select %lt3A_662, %add3A_646, %select_n3A_589 : vector<16xi1>, vector<16xi32>
      %add3A_665 = arith.constant 256 : i32
      %add3A_666 = arith.addi %add3A_569, %add3A_665 : i32
      %add3A_667 = arith.constant 16 : i32
      %add3A_668 = arith.addi %add3A_666, %add3A_667 : i32
      %get3A_669 = arith.index_cast %add3A_668 : i32 to index
      %get3A_670 = tpu.vector_load %arg4[%get3A_669] {strides = array<i32>} : memref<32768xf32, #tpu.memory_space<vmem>>, vector<16xf32>,
      %lt3A_671 = arith.cmpf olt, %get3A_670, %select_n3A_597 : vector<16xf32>
      %select_n3A_672 = arith.select %lt3A_671, %get3A_670, %select_n3A_597 : vector<16xi1>, vector<16xf32>
      %select_n3A_673 = arith.select %lt3A_671, %add3A_646, %select_n3A_598 : vector<16xi1>, vector<16xi32>
      %add3A_674 = arith.constant 384 : i32
      %add3A_675 = arith.addi %add3A_569, %add3A_674 : i32
      %add3A_676 = arith.constant 16 : i32
      %add3A_677 = arith.addi %add3A_675, %add3A_676 : i32
      %get3A_678 = arith.index_cast %add3A_677 : i32 to index
      %get3A_679 = tpu.vector_load %arg4[%get3A_678] {strides = array<i32>} : memref<32768xf32, #tpu.memory_space<vmem>>, vector<16xf32>,
      %lt3A_680 = arith.cmpf olt, %get3A_679, %select_n3A_606 : vector<16xf32>
      %select_n3A_681 = arith.select %lt3A_680, %get3A_679, %select_n3A_606 : vector<16xi1>, vector<16xf32>
      %select_n3A_682 = arith.select %lt3A_680, %add3A_646, %select_n3A_607 : vector<16xi1>, vector<16xi32>
      %add3A_683 = arith.constant 512 : i32
      %add3A_684 = arith.addi %add3A_569, %add3A_683 : i32
      %add3A_685 = arith.constant 16 : i32
      %add3A_686 = arith.addi %add3A_684, %add3A_685 : i32
      %get3A_687 = arith.index_cast %add3A_686 : i32 to index
      %get3A_688 = tpu.vector_load %arg4[%get3A_687] {strides = array<i32>} : memref<32768xf32, #tpu.memory_space<vmem>>, vector<16xf32>,
      %lt3A_689 = arith.cmpf olt, %get3A_688, %select_n3A_615 : vector<16xf32>
      %select_n3A_690 = arith.select %lt3A_689, %get3A_688, %select_n3A_615 : vector<16xi1>, vector<16xf32>
      %select_n3A_691 = arith.select %lt3A_689, %add3A_646, %select_n3A_616 : vector<16xi1>, vector<16xi32>
      %add3A_692 = arith.constant 640 : i32
      %add3A_693 = arith.addi %add3A_569, %add3A_692 : i32
      %add3A_694 = arith.constant 16 : i32
      %add3A_695 = arith.addi %add3A_693, %add3A_694 : i32
      %get3A_696 = arith.index_cast %add3A_695 : i32 to index
      %get3A_697 = tpu.vector_load %arg4[%get3A_696] {strides = array<i32>} : memref<32768xf32, #tpu.memory_space<vmem>>, vector<16xf32>,
      %lt3A_698 = arith.cmpf olt, %get3A_697, %select_n3A_624 : vector<16xf32>
      %select_n3A_699 = arith.select %lt3A_698, %get3A_697, %select_n3A_624 : vector<16xi1>, vector<16xf32>
      %select_n3A_700 = arith.select %lt3A_698, %add3A_646, %select_n3A_625 : vector<16xi1>, vector<16xi32>
      %add3A_701 = arith.constant 768 : i32
      %add3A_702 = arith.addi %add3A_569, %add3A_701 : i32
      %add3A_703 = arith.constant 16 : i32
      %add3A_704 = arith.addi %add3A_702, %add3A_703 : i32
      %get3A_705 = arith.index_cast %add3A_704 : i32 to index
      %get3A_706 = tpu.vector_load %arg4[%get3A_705] {strides = array<i32>} : memref<32768xf32, #tpu.memory_space<vmem>>, vector<16xf32>,
      %lt3A_707 = arith.cmpf olt, %get3A_706, %select_n3A_633 : vector<16xf32>
      %select_n3A_708 = arith.select %lt3A_707, %get3A_706, %select_n3A_633 : vector<16xi1>, vector<16xf32>
      %select_n3A_709 = arith.select %lt3A_707, %add3A_646, %select_n3A_634 : vector<16xi1>, vector<16xi32>
      %add3A_710 = arith.constant 896 : i32
      %add3A_711 = arith.addi %add3A_569, %add3A_710 : i32
      %add3A_712 = arith.constant 16 : i32
      %add3A_713 = arith.addi %add3A_711, %add3A_712 : i32
      %get3A_714 = arith.index_cast %add3A_713 : i32 to index
      %get3A_715 = tpu.vector_load %arg4[%get3A_714] {strides = array<i32>} : memref<32768xf32, #tpu.memory_space<vmem>>, vector<16xf32>,
      %lt3A_716 = arith.cmpf olt, %get3A_715, %select_n3A_642 : vector<16xf32>
      %select_n3A_717 = arith.select %lt3A_716, %get3A_715, %select_n3A_642 : vector<16xi1>, vector<16xf32>
      %select_n3A_718 = arith.select %lt3A_716, %add3A_646, %select_n3A_643 : vector<16xi1>, vector<16xi32>
      %add3A_719 = arith.constant 2 : i32
      %add3A_720 = vector.broadcast %add3A_719 : i32 to vector<16xi32>
      %add3A_721 = arith.addi %scan3A_531, %add3A_720 : vector<16xi32>
      %add3A_722 = arith.constant 0 : i32
      %add3A_723 = arith.addi %add3A_569, %add3A_722 : i32
      %add3A_724 = arith.constant 32 : i32
      %add3A_725 = arith.addi %add3A_723, %add3A_724 : i32
      %get3A_726 = arith.index_cast %add3A_725 : i32 to index
      %get3A_727 = tpu.vector_load %arg4[%get3A_726] {strides = array<i32>} : memref<32768xf32, #tpu.memory_space<vmem>>, vector<16xf32>,
      %lt3A_728 = arith.cmpf olt, %get3A_727, %select_n3A_654 : vector<16xf32>
      %select_n3A_729 = arith.select %lt3A_728, %get3A_727, %select_n3A_654 : vector<16xi1>, vector<16xf32>
      %select_n3A_730 = arith.select %lt3A_728, %add3A_721, %select_n3A_655 : vector<16xi1>, vector<16xi32>
      %add3A_731 = arith.constant 128 : i32
      %add3A_732 = arith.addi %add3A_569, %add3A_731 : i32
      %add3A_733 = arith.constant 32 : i32
      %add3A_734 = arith.addi %add3A_732, %add3A_733 : i32
      %get3A_735 = arith.index_cast %add3A_734 : i32 to index
      %get3A_736 = tpu.vector_load %arg4[%get3A_735] {strides = array<i32>} : memref<32768xf32, #tpu.memory_space<vmem>>, vector<16xf32>,
      %lt3A_737 = arith.cmpf olt, %get3A_736, %select_n3A_663 : vector<16xf32>
      %select_n3A_738 = arith.select %lt3A_737, %get3A_736, %select_n3A_663 : vector<16xi1>, vector<16xf32>
      %select_n3A_739 = arith.select %lt3A_737, %add3A_721, %select_n3A_664 : vector<16xi1>, vector<16xi32>
      %add3A_740 = arith.constant 256 : i32
      %add3A_741 = arith.addi %add3A_569, %add3A_740 : i32
      %add3A_742 = arith.constant 32 : i32
      %add3A_743 = arith.addi %add3A_741, %add3A_742 : i32
      %get3A_744 = arith.index_cast %add3A_743 : i32 to index
      %get3A_745 = tpu.vector_load %arg4[%get3A_744] {strides = array<i32>} : memref<32768xf32, #tpu.memory_space<vmem>>, vector<16xf32>,
      %lt3A_746 = arith.cmpf olt, %get3A_745, %select_n3A_672 : vector<16xf32>
      %select_n3A_747 = arith.select %lt3A_746, %get3A_745, %select_n3A_672 : vector<16xi1>, vector<16xf32>
      %select_n3A_748 = arith.select %lt3A_746, %add3A_721, %select_n3A_673 : vector<16xi1>, vector<16xi32>
      %add3A_749 = arith.constant 384 : i32
      %add3A_750 = arith.addi %add3A_569, %add3A_749 : i32
      %add3A_751 = arith.constant 32 : i32
      %add3A_752 = arith.addi %add3A_750, %add3A_751 : i32
      %get3A_753 = arith.index_cast %add3A_752 : i32 to index
      %get3A_754 = tpu.vector_load %arg4[%get3A_753] {strides = array<i32>} : memref<32768xf32, #tpu.memory_space<vmem>>, vector<16xf32>,
      %lt3A_755 = arith.cmpf olt, %get3A_754, %select_n3A_681 : vector<16xf32>
      %select_n3A_756 = arith.select %lt3A_755, %get3A_754, %select_n3A_681 : vector<16xi1>, vector<16xf32>
      %select_n3A_757 = arith.select %lt3A_755, %add3A_721, %select_n3A_682 : vector<16xi1>, vector<16xi32>
      %add3A_758 = arith.constant 512 : i32
      %add3A_759 = arith.addi %add3A_569, %add3A_758 : i32
      %add3A_760 = arith.constant 32 : i32
      %add3A_761 = arith.addi %add3A_759, %add3A_760 : i32
      %get3A_762 = arith.index_cast %add3A_761 : i32 to index
      %get3A_763 = tpu.vector_load %arg4[%get3A_762] {strides = array<i32>} : memref<32768xf32, #tpu.memory_space<vmem>>, vector<16xf32>,
      %lt3A_764 = arith.cmpf olt, %get3A_763, %select_n3A_690 : vector<16xf32>
      %select_n3A_765 = arith.select %lt3A_764, %get3A_763, %select_n3A_690 : vector<16xi1>, vector<16xf32>
      %select_n3A_766 = arith.select %lt3A_764, %add3A_721, %select_n3A_691 : vector<16xi1>, vector<16xi32>
      %add3A_767 = arith.constant 640 : i32
      %add3A_768 = arith.addi %add3A_569, %add3A_767 : i32
      %add3A_769 = arith.constant 32 : i32
      %add3A_770 = arith.addi %add3A_768, %add3A_769 : i32
      %get3A_771 = arith.index_cast %add3A_770 : i32 to index
      %get3A_772 = tpu.vector_load %arg4[%get3A_771] {strides = array<i32>} : memref<32768xf32, #tpu.memory_space<vmem>>, vector<16xf32>,
      %lt3A_773 = arith.cmpf olt, %get3A_772, %select_n3A_699 : vector<16xf32>
      %select_n3A_774 = arith.select %lt3A_773, %get3A_772, %select_n3A_699 : vector<16xi1>, vector<16xf32>
      %select_n3A_775 = arith.select %lt3A_773, %add3A_721, %select_n3A_700 : vector<16xi1>, vector<16xi32>
      %add3A_776 = arith.constant 768 : i32
      %add3A_777 = arith.addi %add3A_569, %add3A_776 : i32
      %add3A_778 = arith.constant 32 : i32
      %add3A_779 = arith.addi %add3A_777, %add3A_778 : i32
      %get3A_780 = arith.index_cast %add3A_779 : i32 to index
      %get3A_781 = tpu.vector_load %arg4[%get3A_780] {strides = array<i32>} : memref<32768xf32, #tpu.memory_space<vmem>>, vector<16xf32>,
      %lt3A_782 = arith.cmpf olt, %get3A_781, %select_n3A_708 : vector<16xf32>
      %select_n3A_783 = arith.select %lt3A_782, %get3A_781, %select_n3A_708 : vector<16xi1>, vector<16xf32>
      %select_n3A_784 = arith.select %lt3A_782, %add3A_721, %select_n3A_709 : vector<16xi1>, vector<16xi32>
      %add3A_785 = arith.constant 896 : i32
      %add3A_786 = arith.addi %add3A_569, %add3A_785 : i32
      %add3A_787 = arith.constant 32 : i32
      %add3A_788 = arith.addi %add3A_786, %add3A_787 : i32
      %get3A_789 = arith.index_cast %add3A_788 : i32 to index
      %get3A_790 = tpu.vector_load %arg4[%get3A_789] {strides = array<i32>} : memref<32768xf32, #tpu.memory_space<vmem>>, vector<16xf32>,
      %lt3A_791 = arith.cmpf olt, %get3A_790, %select_n3A_717 : vector<16xf32>
      %select_n3A_792 = arith.select %lt3A_791, %get3A_790, %select_n3A_717 : vector<16xi1>, vector<16xf32>
      %select_n3A_793 = arith.select %lt3A_791, %add3A_721, %select_n3A_718 : vector<16xi1>, vector<16xi32>
      %add3A_794 = arith.constant 3 : i32
      %add3A_795 = vector.broadcast %add3A_794 : i32 to vector<16xi32>
      %add3A_796 = arith.addi %scan3A_531, %add3A_795 : vector<16xi32>
      %add3A_797 = arith.constant 0 : i32
      %add3A_798 = arith.addi %add3A_569, %add3A_797 : i32
      %add3A_799 = arith.constant 48 : i32
      %add3A_800 = arith.addi %add3A_798, %add3A_799 : i32
      %get3A_801 = arith.index_cast %add3A_800 : i32 to index
      %get3A_802 = tpu.vector_load %arg4[%get3A_801] {strides = array<i32>} : memref<32768xf32, #tpu.memory_space<vmem>>, vector<16xf32>,
      %lt3A_803 = arith.cmpf olt, %get3A_802, %select_n3A_729 : vector<16xf32>
      %select_n3A_804 = arith.select %lt3A_803, %get3A_802, %select_n3A_729 : vector<16xi1>, vector<16xf32>
      %select_n3A_805 = arith.select %lt3A_803, %add3A_796, %select_n3A_730 : vector<16xi1>, vector<16xi32>
      %add3A_806 = arith.constant 128 : i32
      %add3A_807 = arith.addi %add3A_569, %add3A_806 : i32
      %add3A_808 = arith.constant 48 : i32
      %add3A_809 = arith.addi %add3A_807, %add3A_808 : i32
      %get3A_810 = arith.index_cast %add3A_809 : i32 to index
      %get3A_811 = tpu.vector_load %arg4[%get3A_810] {strides = array<i32>} : memref<32768xf32, #tpu.memory_space<vmem>>, vector<16xf32>,
      %lt3A_812 = arith.cmpf olt, %get3A_811, %select_n3A_738 : vector<16xf32>
      %select_n3A_813 = arith.select %lt3A_812, %get3A_811, %select_n3A_738 : vector<16xi1>, vector<16xf32>
      %select_n3A_814 = arith.select %lt3A_812, %add3A_796, %select_n3A_739 : vector<16xi1>, vector<16xi32>
      %add3A_815 = arith.constant 256 : i32
      %add3A_816 = arith.addi %add3A_569, %add3A_815 : i32
      %add3A_817 = arith.constant 48 : i32
      %add3A_818 = arith.addi %add3A_816, %add3A_817 : i32
      %get3A_819 = arith.index_cast %add3A_818 : i32 to index
      %get3A_820 = tpu.vector_load %arg4[%get3A_819] {strides = array<i32>} : memref<32768xf32, #tpu.memory_space<vmem>>, vector<16xf32>,
      %lt3A_821 = arith.cmpf olt, %get3A_820, %select_n3A_747 : vector<16xf32>
      %select_n3A_822 = arith.select %lt3A_821, %get3A_820, %select_n3A_747 : vector<16xi1>, vector<16xf32>
      %select_n3A_823 = arith.select %lt3A_821, %add3A_796, %select_n3A_748 : vector<16xi1>, vector<16xi32>
      %add3A_824 = arith.constant 384 : i32
      %add3A_825 = arith.addi %add3A_569, %add3A_824 : i32
      %add3A_826 = arith.constant 48 : i32
      %add3A_827 = arith.addi %add3A_825, %add3A_826 : i32
      %get3A_828 = arith.index_cast %add3A_827 : i32 to index
      %get3A_829 = tpu.vector_load %arg4[%get3A_828] {strides = array<i32>} : memref<32768xf32, #tpu.memory_space<vmem>>, vector<16xf32>,
      %lt3A_830 = arith.cmpf olt, %get3A_829, %select_n3A_756 : vector<16xf32>
      %select_n3A_831 = arith.select %lt3A_830, %get3A_829, %select_n3A_756 : vector<16xi1>, vector<16xf32>
      %select_n3A_832 = arith.select %lt3A_830, %add3A_796, %select_n3A_757 : vector<16xi1>, vector<16xi32>
      %add3A_833 = arith.constant 512 : i32
      %add3A_834 = arith.addi %add3A_569, %add3A_833 : i32
      %add3A_835 = arith.constant 48 : i32
      %add3A_836 = arith.addi %add3A_834, %add3A_835 : i32
      %get3A_837 = arith.index_cast %add3A_836 : i32 to index
      %get3A_838 = tpu.vector_load %arg4[%get3A_837] {strides = array<i32>} : memref<32768xf32, #tpu.memory_space<vmem>>, vector<16xf32>,
      %lt3A_839 = arith.cmpf olt, %get3A_838, %select_n3A_765 : vector<16xf32>
      %select_n3A_840 = arith.select %lt3A_839, %get3A_838, %select_n3A_765 : vector<16xi1>, vector<16xf32>
      %select_n3A_841 = arith.select %lt3A_839, %add3A_796, %select_n3A_766 : vector<16xi1>, vector<16xi32>
      %add3A_842 = arith.constant 640 : i32
      %add3A_843 = arith.addi %add3A_569, %add3A_842 : i32
      %add3A_844 = arith.constant 48 : i32
      %add3A_845 = arith.addi %add3A_843, %add3A_844 : i32
      %get3A_846 = arith.index_cast %add3A_845 : i32 to index
      %get3A_847 = tpu.vector_load %arg4[%get3A_846] {strides = array<i32>} : memref<32768xf32, #tpu.memory_space<vmem>>, vector<16xf32>,
      %lt3A_848 = arith.cmpf olt, %get3A_847, %select_n3A_774 : vector<16xf32>
      %select_n3A_849 = arith.select %lt3A_848, %get3A_847, %select_n3A_774 : vector<16xi1>, vector<16xf32>
      %select_n3A_850 = arith.select %lt3A_848, %add3A_796, %select_n3A_775 : vector<16xi1>, vector<16xi32>
      %add3A_851 = arith.constant 768 : i32
      %add3A_852 = arith.addi %add3A_569, %add3A_851 : i32
      %add3A_853 = arith.constant 48 : i32
      %add3A_854 = arith.addi %add3A_852, %add3A_853 : i32
      %get3A_855 = arith.index_cast %add3A_854 : i32 to index
      %get3A_856 = tpu.vector_load %arg4[%get3A_855] {strides = array<i32>} : memref<32768xf32, #tpu.memory_space<vmem>>, vector<16xf32>,
      %lt3A_857 = arith.cmpf olt, %get3A_856, %select_n3A_783 : vector<16xf32>
      %select_n3A_858 = arith.select %lt3A_857, %get3A_856, %select_n3A_783 : vector<16xi1>, vector<16xf32>
      %select_n3A_859 = arith.select %lt3A_857, %add3A_796, %select_n3A_784 : vector<16xi1>, vector<16xi32>
      %add3A_860 = arith.constant 896 : i32
      %add3A_861 = arith.addi %add3A_569, %add3A_860 : i32
      %add3A_862 = arith.constant 48 : i32
      %add3A_863 = arith.addi %add3A_861, %add3A_862 : i32
      %get3A_864 = arith.index_cast %add3A_863 : i32 to index
      %get3A_865 = tpu.vector_load %arg4[%get3A_864] {strides = array<i32>} : memref<32768xf32, #tpu.memory_space<vmem>>, vector<16xf32>,
      %lt3A_866 = arith.cmpf olt, %get3A_865, %select_n3A_792 : vector<16xf32>
      %select_n3A_867 = arith.select %lt3A_866, %get3A_865, %select_n3A_792 : vector<16xi1>, vector<16xf32>
      %select_n3A_868 = arith.select %lt3A_866, %add3A_796, %select_n3A_793 : vector<16xi1>, vector<16xi32>
      %add3A_869 = arith.constant 4 : i32
      %add3A_870 = vector.broadcast %add3A_869 : i32 to vector<16xi32>
      %add3A_871 = arith.addi %scan3A_531, %add3A_870 : vector<16xi32>
      scf.yield %select_n3A_804, %select_n3A_813, %select_n3A_822, %select_n3A_831, %select_n3A_840, %select_n3A_849, %select_n3A_858, %select_n3A_867, %select_n3A_805, %select_n3A_814, %select_n3A_823, %select_n3A_832, %select_n3A_841, %select_n3A_850, %select_n3A_859, %select_n3A_868, %add3A_871 : vector<16xf32>, vector<16xf32>, vector<16xf32>, vector<16xf32>, vector<16xf32>, vector<16xf32>, vector<16xf32>, vector<16xf32>, vector<16xi32>, vector<16xi32>, vector<16xi32>, vector<16xi32>, vector<16xi32>, vector<16xi32>, vector<16xi32>, vector<16xi32>, vector<16xi32>
    }
    %scan3A_56 = arith.constant 64 : i32
    %mul3A_57 = arith.constant 16 : i32
    %mul3A_58 = vector.broadcast %mul3A_57 : i32 to vector<16xi32>
    %mul3A_59 = arith.muli %scan3A_55#8, %mul3A_58 : vector<16xi32>
    %add3A_60 = arith.addi %mul3A_59, %iota3A : vector<16xi32>
    %reduce_min3A = arith.constant true
    %reduce_min3A_61 = vector.broadcast %reduce_min3A : i1 to vector<16xi1>
    %reduce_min3A_62 = tpu.scan <min>, %scan3A_55#0 masked %reduce_min3A_61 : vector<16xf32>, vector<16xi1> -> vector<16xf32>
    %reduce_min3A_63 = vector.extract %reduce_min3A_62[15] : f32 from vector<16xf32>
    %eq3A = vector.broadcast %reduce_min3A_63 : f32 to vector<16xf32>
    %eq3A_64 = arith.cmpf oeq, %scan3A_55#0, %eq3A : vector<16xf32>
    %jit3A = arith.constant 2147483647 : i32
    %broadcast_in_dim3A_65 = vector.broadcast %jit3A : i32 to vector<16xi32>
    %select_n3A = arith.select %eq3A_64, %add3A_60, %broadcast_in_dim3A_65 : vector<16xi1>, vector<16xi32>
    %reduce_min3A_66 = arith.constant true
    %reduce_min3A_67 = vector.broadcast %reduce_min3A_66 : i1 to vector<16xi1>
    %reduce_min3A_68 = arith.constant -2147483648 : i32
    %reduce_min3A_69 = vector.broadcast %reduce_min3A_68 : i32 to vector<16xi32>
    %reduce_min3A_70 = arith.xori %select_n3A, %reduce_min3A_69 : vector<16xi32>
    %reduce_min3A_71 = tpu.scan <min>, %reduce_min3A_70 masked %reduce_min3A_67 : vector<16xi32>, vector<16xi1> -> vector<16xi32>
    %reduce_min3A_72 = arith.xori %reduce_min3A_71, %reduce_min3A_69 : vector<16xi32>
    %reduce_min3A_73 = vector.extract %reduce_min3A_72[15] : i32 from vector<16xi32>
    %eq3A_74 = arith.constant 0 : i32
    %eq3A_75 = vector.broadcast %eq3A_74 : i32 to vector<16xi32>
    %eq3A_76 = arith.cmpi eq, %iota3A, %eq3A_75 : vector<16xi32>
    %broadcast_in_dim3A_77 = vector.broadcast %reduce_min3A_73 : i32 to vector<16xi32>
    %select_n3A_78 = arith.select %eq3A_76, %broadcast_in_dim3A_77, %broadcast_in_dim3A_10 : vector<16xi1>, vector<16xi32>
    %mul3A_79 = arith.constant 16 : i32
    %mul3A_80 = vector.broadcast %mul3A_79 : i32 to vector<16xi32>
    %mul3A_81 = arith.muli %scan3A_55#9, %mul3A_80 : vector<16xi32>
    %add3A_82 = arith.addi %mul3A_81, %iota3A : vector<16xi32>
    %reduce_min3A_83 = arith.constant true
    %reduce_min3A_84 = vector.broadcast %reduce_min3A_83 : i1 to vector<16xi1>
    %reduce_min3A_85 = tpu.scan <min>, %scan3A_55#1 masked %reduce_min3A_84 : vector<16xf32>, vector<16xi1> -> vector<16xf32>
    %reduce_min3A_86 = vector.extract %reduce_min3A_85[15] : f32 from vector<16xf32>
    %eq3A_87 = vector.broadcast %reduce_min3A_86 : f32 to vector<16xf32>
    %eq3A_88 = arith.cmpf oeq, %scan3A_55#1, %eq3A_87 : vector<16xf32>
    %jit3A_89 = arith.constant 2147483647 : i32
    %broadcast_in_dim3A_90 = vector.broadcast %jit3A_89 : i32 to vector<16xi32>
    %select_n3A_91 = arith.select %eq3A_88, %add3A_82, %broadcast_in_dim3A_90 : vector<16xi1>, vector<16xi32>
    %reduce_min3A_92 = arith.constant true
    %reduce_min3A_93 = vector.broadcast %reduce_min3A_92 : i1 to vector<16xi1>
    %reduce_min3A_94 = arith.constant -2147483648 : i32
    %reduce_min3A_95 = vector.broadcast %reduce_min3A_94 : i32 to vector<16xi32>
    %reduce_min3A_96 = arith.xori %select_n3A_91, %reduce_min3A_95 : vector<16xi32>
    %reduce_min3A_97 = tpu.scan <min>, %reduce_min3A_96 masked %reduce_min3A_93 : vector<16xi32>, vector<16xi1> -> vector<16xi32>
    %reduce_min3A_98 = arith.xori %reduce_min3A_97, %reduce_min3A_95 : vector<16xi32>
    %reduce_min3A_99 = vector.extract %reduce_min3A_98[15] : i32 from vector<16xi32>
    %eq3A_100 = arith.constant 1 : i32
    %eq3A_101 = vector.broadcast %eq3A_100 : i32 to vector<16xi32>
    %eq3A_102 = arith.cmpi eq, %iota3A, %eq3A_101 : vector<16xi32>
    %broadcast_in_dim3A_103 = vector.broadcast %reduce_min3A_99 : i32 to vector<16xi32>
    %select_n3A_104 = arith.select %eq3A_102, %broadcast_in_dim3A_103, %select_n3A_78 : vector<16xi1>, vector<16xi32>
    %mul3A_105 = arith.constant 16 : i32
    %mul3A_106 = vector.broadcast %mul3A_105 : i32 to vector<16xi32>
    %mul3A_107 = arith.muli %scan3A_55#10, %mul3A_106 : vector<16xi32>
    %add3A_108 = arith.addi %mul3A_107, %iota3A : vector<16xi32>
    %reduce_min3A_109 = arith.constant true
    %reduce_min3A_110 = vector.broadcast %reduce_min3A_109 : i1 to vector<16xi1>
    %reduce_min3A_111 = tpu.scan <min>, %scan3A_55#2 masked %reduce_min3A_110 : vector<16xf32>, vector<16xi1> -> vector<16xf32>
    %reduce_min3A_112 = vector.extract %reduce_min3A_111[15] : f32 from vector<16xf32>
    %eq3A_113 = vector.broadcast %reduce_min3A_112 : f32 to vector<16xf32>
    %eq3A_114 = arith.cmpf oeq, %scan3A_55#2, %eq3A_113 : vector<16xf32>
    %jit3A_115 = arith.constant 2147483647 : i32
    %broadcast_in_dim3A_116 = vector.broadcast %jit3A_115 : i32 to vector<16xi32>
    %select_n3A_117 = arith.select %eq3A_114, %add3A_108, %broadcast_in_dim3A_116 : vector<16xi1>, vector<16xi32>
    %reduce_min3A_118 = arith.constant true
    %reduce_min3A_119 = vector.broadcast %reduce_min3A_118 : i1 to vector<16xi1>
    %reduce_min3A_120 = arith.constant -2147483648 : i32
    %reduce_min3A_121 = vector.broadcast %reduce_min3A_120 : i32 to vector<16xi32>
    %reduce_min3A_122 = arith.xori %select_n3A_117, %reduce_min3A_121 : vector<16xi32>
    %reduce_min3A_123 = tpu.scan <min>, %reduce_min3A_122 masked %reduce_min3A_119 : vector<16xi32>, vector<16xi1> -> vector<16xi32>
    %reduce_min3A_124 = arith.xori %reduce_min3A_123, %reduce_min3A_121 : vector<16xi32>
    %reduce_min3A_125 = vector.extract %reduce_min3A_124[15] : i32 from vector<16xi32>
    %eq3A_126 = arith.constant 2 : i32
    %eq3A_127 = vector.broadcast %eq3A_126 : i32 to vector<16xi32>
    %eq3A_128 = arith.cmpi eq, %iota3A, %eq3A_127 : vector<16xi32>
    %broadcast_in_dim3A_129 = vector.broadcast %reduce_min3A_125 : i32 to vector<16xi32>
    %select_n3A_130 = arith.select %eq3A_128, %broadcast_in_dim3A_129, %select_n3A_104 : vector<16xi1>, vector<16xi32>
    %mul3A_131 = arith.constant 16 : i32
    %mul3A_132 = vector.broadcast %mul3A_131 : i32 to vector<16xi32>
    %mul3A_133 = arith.muli %scan3A_55#11, %mul3A_132 : vector<16xi32>
    %add3A_134 = arith.addi %mul3A_133, %iota3A : vector<16xi32>
    %reduce_min3A_135 = arith.constant true
    %reduce_min3A_136 = vector.broadcast %reduce_min3A_135 : i1 to vector<16xi1>
    %reduce_min3A_137 = tpu.scan <min>, %scan3A_55#3 masked %reduce_min3A_136 : vector<16xf32>, vector<16xi1> -> vector<16xf32>
    %reduce_min3A_138 = vector.extract %reduce_min3A_137[15] : f32 from vector<16xf32>
    %eq3A_139 = vector.broadcast %reduce_min3A_138 : f32 to vector<16xf32>
    %eq3A_140 = arith.cmpf oeq, %scan3A_55#3, %eq3A_139 : vector<16xf32>
    %jit3A_141 = arith.constant 2147483647 : i32
    %broadcast_in_dim3A_142 = vector.broadcast %jit3A_141 : i32 to vector<16xi32>
    %select_n3A_143 = arith.select %eq3A_140, %add3A_134, %broadcast_in_dim3A_142 : vector<16xi1>, vector<16xi32>
    %reduce_min3A_144 = arith.constant true
    %reduce_min3A_145 = vector.broadcast %reduce_min3A_144 : i1 to vector<16xi1>
    %reduce_min3A_146 = arith.constant -2147483648 : i32
    %reduce_min3A_147 = vector.broadcast %reduce_min3A_146 : i32 to vector<16xi32>
    %reduce_min3A_148 = arith.xori %select_n3A_143, %reduce_min3A_147 : vector<16xi32>
    %reduce_min3A_149 = tpu.scan <min>, %reduce_min3A_148 masked %reduce_min3A_145 : vector<16xi32>, vector<16xi1> -> vector<16xi32>
    %reduce_min3A_150 = arith.xori %reduce_min3A_149, %reduce_min3A_147 : vector<16xi32>
    %reduce_min3A_151 = vector.extract %reduce_min3A_150[15] : i32 from vector<16xi32>
    %eq3A_152 = arith.constant 3 : i32
    %eq3A_153 = vector.broadcast %eq3A_152 : i32 to vector<16xi32>
    %eq3A_154 = arith.cmpi eq, %iota3A, %eq3A_153 : vector<16xi32>
    %broadcast_in_dim3A_155 = vector.broadcast %reduce_min3A_151 : i32 to vector<16xi32>
    %select_n3A_156 = arith.select %eq3A_154, %broadcast_in_dim3A_155, %select_n3A_130 : vector<16xi1>, vector<16xi32>
    %mul3A_157 = arith.constant 16 : i32
    %mul3A_158 = vector.broadcast %mul3A_157 : i32 to vector<16xi32>
    %mul3A_159 = arith.muli %scan3A_55#12, %mul3A_158 : vector<16xi32>
    %add3A_160 = arith.addi %mul3A_159, %iota3A : vector<16xi32>
    %reduce_min3A_161 = arith.constant true
    %reduce_min3A_162 = vector.broadcast %reduce_min3A_161 : i1 to vector<16xi1>
    %reduce_min3A_163 = tpu.scan <min>, %scan3A_55#4 masked %reduce_min3A_162 : vector<16xf32>, vector<16xi1> -> vector<16xf32>
    %reduce_min3A_164 = vector.extract %reduce_min3A_163[15] : f32 from vector<16xf32>
    %eq3A_165 = vector.broadcast %reduce_min3A_164 : f32 to vector<16xf32>
    %eq3A_166 = arith.cmpf oeq, %scan3A_55#4, %eq3A_165 : vector<16xf32>
    %jit3A_167 = arith.constant 2147483647 : i32
    %broadcast_in_dim3A_168 = vector.broadcast %jit3A_167 : i32 to vector<16xi32>
    %select_n3A_169 = arith.select %eq3A_166, %add3A_160, %broadcast_in_dim3A_168 : vector<16xi1>, vector<16xi32>
    %reduce_min3A_170 = arith.constant true
    %reduce_min3A_171 = vector.broadcast %reduce_min3A_170 : i1 to vector<16xi1>
    %reduce_min3A_172 = arith.constant -2147483648 : i32
    %reduce_min3A_173 = vector.broadcast %reduce_min3A_172 : i32 to vector<16xi32>
    %reduce_min3A_174 = arith.xori %select_n3A_169, %reduce_min3A_173 : vector<16xi32>
    %reduce_min3A_175 = tpu.scan <min>, %reduce_min3A_174 masked %reduce_min3A_171 : vector<16xi32>, vector<16xi1> -> vector<16xi32>
    %reduce_min3A_176 = arith.xori %reduce_min3A_175, %reduce_min3A_173 : vector<16xi32>
    %reduce_min3A_177 = vector.extract %reduce_min3A_176[15] : i32 from vector<16xi32>
    %eq3A_178 = arith.constant 4 : i32
    %eq3A_179 = vector.broadcast %eq3A_178 : i32 to vector<16xi32>
    %eq3A_180 = arith.cmpi eq, %iota3A, %eq3A_179 : vector<16xi32>
    %broadcast_in_dim3A_181 = vector.broadcast %reduce_min3A_177 : i32 to vector<16xi32>
    %select_n3A_182 = arith.select %eq3A_180, %broadcast_in_dim3A_181, %select_n3A_156 : vector<16xi1>, vector<16xi32>
    %mul3A_183 = arith.constant 16 : i32
    %mul3A_184 = vector.broadcast %mul3A_183 : i32 to vector<16xi32>
    %mul3A_185 = arith.muli %scan3A_55#13, %mul3A_184 : vector<16xi32>
    %add3A_186 = arith.addi %mul3A_185, %iota3A : vector<16xi32>
    %reduce_min3A_187 = arith.constant true
    %reduce_min3A_188 = vector.broadcast %reduce_min3A_187 : i1 to vector<16xi1>
    %reduce_min3A_189 = tpu.scan <min>, %scan3A_55#5 masked %reduce_min3A_188 : vector<16xf32>, vector<16xi1> -> vector<16xf32>
    %reduce_min3A_190 = vector.extract %reduce_min3A_189[15] : f32 from vector<16xf32>
    %eq3A_191 = vector.broadcast %reduce_min3A_190 : f32 to vector<16xf32>
    %eq3A_192 = arith.cmpf oeq, %scan3A_55#5, %eq3A_191 : vector<16xf32>
    %jit3A_193 = arith.constant 2147483647 : i32
    %broadcast_in_dim3A_194 = vector.broadcast %jit3A_193 : i32 to vector<16xi32>
    %select_n3A_195 = arith.select %eq3A_192, %add3A_186, %broadcast_in_dim3A_194 : vector<16xi1>, vector<16xi32>
    %reduce_min3A_196 = arith.constant true
    %reduce_min3A_197 = vector.broadcast %reduce_min3A_196 : i1 to vector<16xi1>
    %reduce_min3A_198 = arith.constant -2147483648 : i32
    %reduce_min3A_199 = vector.broadcast %reduce_min3A_198 : i32 to vector<16xi32>
    %reduce_min3A_200 = arith.xori %select_n3A_195, %reduce_min3A_199 : vector<16xi32>
    %reduce_min3A_201 = tpu.scan <min>, %reduce_min3A_200 masked %reduce_min3A_197 : vector<16xi32>, vector<16xi1> -> vector<16xi32>
    %reduce_min3A_202 = arith.xori %reduce_min3A_201, %reduce_min3A_199 : vector<16xi32>
    %reduce_min3A_203 = vector.extract %reduce_min3A_202[15] : i32 from vector<16xi32>
    %eq3A_204 = arith.constant 5 : i32
    %eq3A_205 = vector.broadcast %eq3A_204 : i32 to vector<16xi32>
    %eq3A_206 = arith.cmpi eq, %iota3A, %eq3A_205 : vector<16xi32>
    %broadcast_in_dim3A_207 = vector.broadcast %reduce_min3A_203 : i32 to vector<16xi32>
    %select_n3A_208 = arith.select %eq3A_206, %broadcast_in_dim3A_207, %select_n3A_182 : vector<16xi1>, vector<16xi32>
    %mul3A_209 = arith.constant 16 : i32
    %mul3A_210 = vector.broadcast %mul3A_209 : i32 to vector<16xi32>
    %mul3A_211 = arith.muli %scan3A_55#14, %mul3A_210 : vector<16xi32>
    %add3A_212 = arith.addi %mul3A_211, %iota3A : vector<16xi32>
    %reduce_min3A_213 = arith.constant true
    %reduce_min3A_214 = vector.broadcast %reduce_min3A_213 : i1 to vector<16xi1>
    %reduce_min3A_215 = tpu.scan <min>, %scan3A_55#6 masked %reduce_min3A_214 : vector<16xf32>, vector<16xi1> -> vector<16xf32>
    %reduce_min3A_216 = vector.extract %reduce_min3A_215[15] : f32 from vector<16xf32>
    %eq3A_217 = vector.broadcast %reduce_min3A_216 : f32 to vector<16xf32>
    %eq3A_218 = arith.cmpf oeq, %scan3A_55#6, %eq3A_217 : vector<16xf32>
    %jit3A_219 = arith.constant 2147483647 : i32
    %broadcast_in_dim3A_220 = vector.broadcast %jit3A_219 : i32 to vector<16xi32>
    %select_n3A_221 = arith.select %eq3A_218, %add3A_212, %broadcast_in_dim3A_220 : vector<16xi1>, vector<16xi32>
    %reduce_min3A_222 = arith.constant true
    %reduce_min3A_223 = vector.broadcast %reduce_min3A_222 : i1 to vector<16xi1>
    %reduce_min3A_224 = arith.constant -2147483648 : i32
    %reduce_min3A_225 = vector.broadcast %reduce_min3A_224 : i32 to vector<16xi32>
    %reduce_min3A_226 = arith.xori %select_n3A_221, %reduce_min3A_225 : vector<16xi32>
    %reduce_min3A_227 = tpu.scan <min>, %reduce_min3A_226 masked %reduce_min3A_223 : vector<16xi32>, vector<16xi1> -> vector<16xi32>
    %reduce_min3A_228 = arith.xori %reduce_min3A_227, %reduce_min3A_225 : vector<16xi32>
    %reduce_min3A_229 = vector.extract %reduce_min3A_228[15] : i32 from vector<16xi32>
    %eq3A_230 = arith.constant 6 : i32
    %eq3A_231 = vector.broadcast %eq3A_230 : i32 to vector<16xi32>
    %eq3A_232 = arith.cmpi eq, %iota3A, %eq3A_231 : vector<16xi32>
    %broadcast_in_dim3A_233 = vector.broadcast %reduce_min3A_229 : i32 to vector<16xi32>
    %select_n3A_234 = arith.select %eq3A_232, %broadcast_in_dim3A_233, %select_n3A_208 : vector<16xi1>, vector<16xi32>
    %mul3A_235 = arith.constant 16 : i32
    %mul3A_236 = vector.broadcast %mul3A_235 : i32 to vector<16xi32>
    %mul3A_237 = arith.muli %scan3A_55#15, %mul3A_236 : vector<16xi32>
    %add3A_238 = arith.addi %mul3A_237, %iota3A : vector<16xi32>
    %reduce_min3A_239 = arith.constant true
    %reduce_min3A_240 = vector.broadcast %reduce_min3A_239 : i1 to vector<16xi1>
    %reduce_min3A_241 = tpu.scan <min>, %scan3A_55#7 masked %reduce_min3A_240 : vector<16xf32>, vector<16xi1> -> vector<16xf32>
    %reduce_min3A_242 = vector.extract %reduce_min3A_241[15] : f32 from vector<16xf32>
    %eq3A_243 = vector.broadcast %reduce_min3A_242 : f32 to vector<16xf32>
    %eq3A_244 = arith.cmpf oeq, %scan3A_55#7, %eq3A_243 : vector<16xf32>
    %jit3A_245 = arith.constant 2147483647 : i32
    %broadcast_in_dim3A_246 = vector.broadcast %jit3A_245 : i32 to vector<16xi32>
    %select_n3A_247 = arith.select %eq3A_244, %add3A_238, %broadcast_in_dim3A_246 : vector<16xi1>, vector<16xi32>
    %reduce_min3A_248 = arith.constant true
    %reduce_min3A_249 = vector.broadcast %reduce_min3A_248 : i1 to vector<16xi1>
    %reduce_min3A_250 = arith.constant -2147483648 : i32
    %reduce_min3A_251 = vector.broadcast %reduce_min3A_250 : i32 to vector<16xi32>
    %reduce_min3A_252 = arith.xori %select_n3A_247, %reduce_min3A_251 : vector<16xi32>
    %reduce_min3A_253 = tpu.scan <min>, %reduce_min3A_252 masked %reduce_min3A_249 : vector<16xi32>, vector<16xi1> -> vector<16xi32>
    %reduce_min3A_254 = arith.xori %reduce_min3A_253, %reduce_min3A_251 : vector<16xi32>
    %reduce_min3A_255 = vector.extract %reduce_min3A_254[15] : i32 from vector<16xi32>
    %eq3A_256 = arith.constant 7 : i32
    %eq3A_257 = vector.broadcast %eq3A_256 : i32 to vector<16xi32>
    %eq3A_258 = arith.cmpi eq, %iota3A, %eq3A_257 : vector<16xi32>
    %broadcast_in_dim3A_259 = vector.broadcast %reduce_min3A_255 : i32 to vector<16xi32>
    %select_n3A_260 = arith.select %eq3A_258, %broadcast_in_dim3A_259, %select_n3A_234 : vector<16xi1>, vector<16xi32>
    %dma_wait3A_261 = tpu.memref_slice %arg2[%mul3A_14] : memref<8388608xf32, #tpu.memory_space<hbm>> -> memref<32768xf32, #tpu.memory_space<hbm>>
    %dma_wait3A_262 = tpu.memref_slice %arg2[%mul3A_14] : memref<8388608xf32, #tpu.memory_space<hbm>> -> memref<32768xf32, #tpu.memory_space<hbm>>
    tpu.wait_dma2 semaphore(%arg8 : memref<!tpu.dma_semaphore, #tpu.memory_space<semaphore_mem>>) src(%dma_wait3A_262 : memref<32768xf32, #tpu.memory_space<hbm>>) dst(%arg5 : memref<32768xf32, #tpu.memory_space<vmem>>)
    %broadcast_in_dim3A_263 = arith.constant 0x7F800000 : f32
    %broadcast_in_dim3A_264 = vector.broadcast %broadcast_in_dim3A_263 : f32 to vector<16xf32>
    %broadcast_in_dim3A_265 = arith.constant 0x7F800000 : f32
    %broadcast_in_dim3A_266 = vector.broadcast %broadcast_in_dim3A_265 : f32 to vector<16xf32>
    %broadcast_in_dim3A_267 = arith.constant 0x7F800000 : f32
    %broadcast_in_dim3A_268 = vector.broadcast %broadcast_in_dim3A_267 : f32 to vector<16xf32>
    %broadcast_in_dim3A_269 = arith.constant 0x7F800000 : f32
    %broadcast_in_dim3A_270 = vector.broadcast %broadcast_in_dim3A_269 : f32 to vector<16xf32>
    %broadcast_in_dim3A_271 = arith.constant 0x7F800000 : f32
    %broadcast_in_dim3A_272 = vector.broadcast %broadcast_in_dim3A_271 : f32 to vector<16xf32>
    %broadcast_in_dim3A_273 = arith.constant 0x7F800000 : f32
    %broadcast_in_dim3A_274 = vector.broadcast %broadcast_in_dim3A_273 : f32 to vector<16xf32>
    %broadcast_in_dim3A_275 = arith.constant 0x7F800000 : f32
    %broadcast_in_dim3A_276 = vector.broadcast %broadcast_in_dim3A_275 : f32 to vector<16xf32>
    %broadcast_in_dim3A_277 = arith.constant 0x7F800000 : f32
    %broadcast_in_dim3A_278 = vector.broadcast %broadcast_in_dim3A_277 : f32 to vector<16xf32>
    %broadcast_in_dim3A_279 = arith.constant 0 : i32
    %broadcast_in_dim3A_280 = vector.broadcast %broadcast_in_dim3A_279 : i32 to vector<16xi32>
    %broadcast_in_dim3A_281 = arith.constant 0 : i32
    %broadcast_in_dim3A_282 = vector.broadcast %broadcast_in_dim3A_281 : i32 to vector<16xi32>
    %broadcast_in_dim3A_283 = arith.constant 0 : i32
    %broadcast_in_dim3A_284 = vector.broadcast %broadcast_in_dim3A_283 : i32 to vector<16xi32>
    %broadcast_in_dim3A_285 = arith.constant 0 : i32
    %broadcast_in_dim3A_286 = vector.broadcast %broadcast_in_dim3A_285 : i32 to vector<16xi32>
    %broadcast_in_dim3A_287 = arith.constant 0 : i32
    %broadcast_in_dim3A_288 = vector.broadcast %broadcast_in_dim3A_287 : i32 to vector<16xi32>
    %broadcast_in_dim3A_289 = arith.constant 0 : i32
    %broadcast_in_dim3A_290 = vector.broadcast %broadcast_in_dim3A_289 : i32 to vector<16xi32>
    %broadcast_in_dim3A_291 = arith.constant 0 : i32
    %broadcast_in_dim3A_292 = vector.broadcast %broadcast_in_dim3A_291 : i32 to vector<16xi32>
    %broadcast_in_dim3A_293 = arith.constant 0 : i32
    %broadcast_in_dim3A_294 = vector.broadcast %broadcast_in_dim3A_293 : i32 to vector<16xi32>
    %broadcast_in_dim3A_295 = arith.constant 0 : i32
    %broadcast_in_dim3A_296 = vector.broadcast %broadcast_in_dim3A_295 : i32 to vector<16xi32>
    %scan3A_297 = arith.constant 0 : i32
    %scan3A_298 = arith.constant 64 : i32
    %scan3A_299 = arith.addi %scan3A_297, %scan3A_298 : i32
    %scan3A_300 = arith.constant 1 : i32
    %scan3A_301:17 = scf.for %scan3A_514 = %scan3A_297 to %scan3A_299 step %scan3A_300 iter_args(%scan3A_515 = %broadcast_in_dim3A_264, %scan3A_516 = %broadcast_in_dim3A_266, %scan3A_517 = %broadcast_in_dim3A_268, %scan3A_518 = %broadcast_in_dim3A_270, %scan3A_519 = %broadcast_in_dim3A_272, %scan3A_520 = %broadcast_in_dim3A_274, %scan3A_521 = %broadcast_in_dim3A_276, %scan3A_522 = %broadcast_in_dim3A_278, %scan3A_523 = %broadcast_in_dim3A_280, %scan3A_524 = %broadcast_in_dim3A_282, %scan3A_525 = %broadcast_in_dim3A_284, %scan3A_526 = %broadcast_in_dim3A_286, %scan3A_527 = %broadcast_in_dim3A_288, %scan3A_528 = %broadcast_in_dim3A_290, %scan3A_529 = %broadcast_in_dim3A_292, %scan3A_530 = %broadcast_in_dim3A_294, %scan3A_531 = %broadcast_in_dim3A_296) -> (vector<16xf32>, vector<16xf32>, vector<16xf32>, vector<16xf32>, vector<16xf32>, vector<16xf32>, vector<16xf32>, vector<16xf32>, vector<16xi32>, vector<16xi32>, vector<16xi32>, vector<16xi32>, vector<16xi32>, vector<16xi32>, vector<16xi32>, vector<16xi32>, vector<16xi32>)  : i32 {
      %jit3A_532 = arith.constant 2 : i32
      %div3A = arith.divsi %scan3A_514, %jit3A_532 : i32
      %sign3A = arith.constant 0 : i32
      %sign3A_533 = arith.cmpi sgt, %scan3A_514, %sign3A : i32
      %sign3A_534 = arith.extui %sign3A_533 : i1 to i32
      %sign3A_535 = arith.constant 0 : i32
      %sign3A_536 = arith.cmpi slt, %scan3A_514, %sign3A_535 : i32
      %sign3A_537 = arith.extui %sign3A_536 : i1 to i32
      %sign3A_538 = arith.subi %sign3A_534, %sign3A_537 : i32
      %sign3A_539 = arith.constant 0 : i32
      %sign3A_540 = arith.cmpi sgt, %jit3A_532, %sign3A_539 : i32
      %sign3A_541 = arith.extui %sign3A_540 : i1 to i32
      %sign3A_542 = arith.constant 0 : i32
      %sign3A_543 = arith.cmpi slt, %jit3A_532, %sign3A_542 : i32
      %sign3A_544 = arith.extui %sign3A_543 : i1 to i32
      %sign3A_545 = arith.subi %sign3A_541, %sign3A_544 : i32
      %ne3A = arith.cmpi ne, %sign3A_538, %sign3A_545 : i32
      %rem3A = arith.remsi %scan3A_514, %jit3A_532 : i32
      %ne3A_546 = arith.constant 0 : i32
      %ne3A_547 = arith.cmpi ne, %rem3A, %ne3A_546 : i32
      %and3A = arith.andi %ne3A, %ne3A_547 : i1
      %sub3A = arith.constant 1 : i32
      %sub3A_548 = arith.subi %div3A, %sub3A : i32
      %select_n3A_549 = arith.select %and3A, %sub3A_548, %div3A : i32
      %mul3A_550 = arith.constant 1024 : i32
      %mul3A_551 = arith.muli %select_n3A_549, %mul3A_550 : i32
      %jit3A_552 = arith.constant 2 : i32
      %eq3A_553 = arith.constant 0 : i32
      %eq3A_554 = arith.cmpi eq, %jit3A_552, %eq3A_553 : i32
      %jit3A_555 = arith.constant 1 : i32
      %select_n3A_556 = arith.select %eq3A_554, %jit3A_555, %jit3A_552 : i32
      %rem3A_557 = arith.remsi %scan3A_514, %select_n3A_556 : i32
      %ne3A_558 = arith.constant 0 : i32
      %ne3A_559 = arith.cmpi ne, %rem3A_557, %ne3A_558 : i32
      %lt3A = arith.constant 0 : i32
      %lt3A_560 = arith.cmpi slt, %rem3A_557, %lt3A : i32
      %lt3A_561 = arith.constant 0 : i32
      %lt3A_562 = arith.cmpi slt, %select_n3A_556, %lt3A_561 : i32
      %ne3A_563 = arith.xori %lt3A_560, %lt3A_562 : i1
      %and3A_564 = arith.andi %ne3A_563, %ne3A_559 : i1
      %add3A_565 = arith.addi %rem3A_557, %select_n3A_556 : i32
      %select_n3A_566 = arith.select %and3A_564, %add3A_565, %rem3A_557 : i32
      %mul3A_567 = arith.constant 64 : i32
      %mul3A_568 = arith.muli %select_n3A_566, %mul3A_567 : i32
      %add3A_569 = arith.addi %mul3A_551, %mul3A_568 : i32
      %add3A_570 = arith.constant 0 : i32
      %add3A_571 = vector.broadcast %add3A_570 : i32 to vector<16xi32>
      %add3A_572 = arith.addi %scan3A_531, %add3A_571 : vector<16xi32>
      %add3A_573 = arith.constant 0 : i32
      %add3A_574 = arith.addi %add3A_569, %add3A_573 : i32
      %add3A_575 = arith.constant 0 : i32
      %add3A_576 = arith.addi %add3A_574, %add3A_575 : i32
      %get3A = arith.index_cast %add3A_576 : i32 to index
      %get3A_577 = tpu.vector_load %arg5[%get3A] {strides = array<i32>} : memref<32768xf32, #tpu.memory_space<vmem>>, vector<16xf32>,
      %lt3A_578 = arith.cmpf olt, %get3A_577, %scan3A_515 : vector<16xf32>
      %select_n3A_579 = arith.select %lt3A_578, %get3A_577, %scan3A_515 : vector<16xi1>, vector<16xf32>
      %select_n3A_580 = arith.select %lt3A_578, %add3A_572, %scan3A_523 : vector<16xi1>, vector<16xi32>
      %add3A_581 = arith.constant 128 : i32
      %add3A_582 = arith.addi %add3A_569, %add3A_581 : i32
      %add3A_583 = arith.constant 0 : i32
      %add3A_584 = arith.addi %add3A_582, %add3A_583 : i32
      %get3A_585 = arith.index_cast %add3A_584 : i32 to index
      %get3A_586 = tpu.vector_load %arg5[%get3A_585] {strides = array<i32>} : memref<32768xf32, #tpu.memory_space<vmem>>, vector<16xf32>,
      %lt3A_587 = arith.cmpf olt, %get3A_586, %scan3A_516 : vector<16xf32>
      %select_n3A_588 = arith.select %lt3A_587, %get3A_586, %scan3A_516 : vector<16xi1>, vector<16xf32>
      %select_n3A_589 = arith.select %lt3A_587, %add3A_572, %scan3A_524 : vector<16xi1>, vector<16xi32>
      %add3A_590 = arith.constant 256 : i32
      %add3A_591 = arith.addi %add3A_569, %add3A_590 : i32
      %add3A_592 = arith.constant 0 : i32
      %add3A_593 = arith.addi %add3A_591, %add3A_592 : i32
      %get3A_594 = arith.index_cast %add3A_593 : i32 to index
      %get3A_595 = tpu.vector_load %arg5[%get3A_594] {strides = array<i32>} : memref<32768xf32, #tpu.memory_space<vmem>>, vector<16xf32>,
      %lt3A_596 = arith.cmpf olt, %get3A_595, %scan3A_517 : vector<16xf32>
      %select_n3A_597 = arith.select %lt3A_596, %get3A_595, %scan3A_517 : vector<16xi1>, vector<16xf32>
      %select_n3A_598 = arith.select %lt3A_596, %add3A_572, %scan3A_525 : vector<16xi1>, vector<16xi32>
      %add3A_599 = arith.constant 384 : i32
      %add3A_600 = arith.addi %add3A_569, %add3A_599 : i32
      %add3A_601 = arith.constant 0 : i32
      %add3A_602 = arith.addi %add3A_600, %add3A_601 : i32
      %get3A_603 = arith.index_cast %add3A_602 : i32 to index
      %get3A_604 = tpu.vector_load %arg5[%get3A_603] {strides = array<i32>} : memref<32768xf32, #tpu.memory_space<vmem>>, vector<16xf32>,
      %lt3A_605 = arith.cmpf olt, %get3A_604, %scan3A_518 : vector<16xf32>
      %select_n3A_606 = arith.select %lt3A_605, %get3A_604, %scan3A_518 : vector<16xi1>, vector<16xf32>
      %select_n3A_607 = arith.select %lt3A_605, %add3A_572, %scan3A_526 : vector<16xi1>, vector<16xi32>
      %add3A_608 = arith.constant 512 : i32
      %add3A_609 = arith.addi %add3A_569, %add3A_608 : i32
      %add3A_610 = arith.constant 0 : i32
      %add3A_611 = arith.addi %add3A_609, %add3A_610 : i32
      %get3A_612 = arith.index_cast %add3A_611 : i32 to index
      %get3A_613 = tpu.vector_load %arg5[%get3A_612] {strides = array<i32>} : memref<32768xf32, #tpu.memory_space<vmem>>, vector<16xf32>,
      %lt3A_614 = arith.cmpf olt, %get3A_613, %scan3A_519 : vector<16xf32>
      %select_n3A_615 = arith.select %lt3A_614, %get3A_613, %scan3A_519 : vector<16xi1>, vector<16xf32>
      %select_n3A_616 = arith.select %lt3A_614, %add3A_572, %scan3A_527 : vector<16xi1>, vector<16xi32>
      %add3A_617 = arith.constant 640 : i32
      %add3A_618 = arith.addi %add3A_569, %add3A_617 : i32
      %add3A_619 = arith.constant 0 : i32
      %add3A_620 = arith.addi %add3A_618, %add3A_619 : i32
      %get3A_621 = arith.index_cast %add3A_620 : i32 to index
      %get3A_622 = tpu.vector_load %arg5[%get3A_621] {strides = array<i32>} : memref<32768xf32, #tpu.memory_space<vmem>>, vector<16xf32>,
      %lt3A_623 = arith.cmpf olt, %get3A_622, %scan3A_520 : vector<16xf32>
      %select_n3A_624 = arith.select %lt3A_623, %get3A_622, %scan3A_520 : vector<16xi1>, vector<16xf32>
      %select_n3A_625 = arith.select %lt3A_623, %add3A_572, %scan3A_528 : vector<16xi1>, vector<16xi32>
      %add3A_626 = arith.constant 768 : i32
      %add3A_627 = arith.addi %add3A_569, %add3A_626 : i32
      %add3A_628 = arith.constant 0 : i32
      %add3A_629 = arith.addi %add3A_627, %add3A_628 : i32
      %get3A_630 = arith.index_cast %add3A_629 : i32 to index
      %get3A_631 = tpu.vector_load %arg5[%get3A_630] {strides = array<i32>} : memref<32768xf32, #tpu.memory_space<vmem>>, vector<16xf32>,
      %lt3A_632 = arith.cmpf olt, %get3A_631, %scan3A_521 : vector<16xf32>
      %select_n3A_633 = arith.select %lt3A_632, %get3A_631, %scan3A_521 : vector<16xi1>, vector<16xf32>
      %select_n3A_634 = arith.select %lt3A_632, %add3A_572, %scan3A_529 : vector<16xi1>, vector<16xi32>
      %add3A_635 = arith.constant 896 : i32
      %add3A_636 = arith.addi %add3A_569, %add3A_635 : i32
      %add3A_637 = arith.constant 0 : i32
      %add3A_638 = arith.addi %add3A_636, %add3A_637 : i32
      %get3A_639 = arith.index_cast %add3A_638 : i32 to index
      %get3A_640 = tpu.vector_load %arg5[%get3A_639] {strides = array<i32>} : memref<32768xf32, #tpu.memory_space<vmem>>, vector<16xf32>,
      %lt3A_641 = arith.cmpf olt, %get3A_640, %scan3A_522 : vector<16xf32>
      %select_n3A_642 = arith.select %lt3A_641, %get3A_640, %scan3A_522 : vector<16xi1>, vector<16xf32>
      %select_n3A_643 = arith.select %lt3A_641, %add3A_572, %scan3A_530 : vector<16xi1>, vector<16xi32>
      %add3A_644 = arith.constant 1 : i32
      %add3A_645 = vector.broadcast %add3A_644 : i32 to vector<16xi32>
      %add3A_646 = arith.addi %scan3A_531, %add3A_645 : vector<16xi32>
      %add3A_647 = arith.constant 0 : i32
      %add3A_648 = arith.addi %add3A_569, %add3A_647 : i32
      %add3A_649 = arith.constant 16 : i32
      %add3A_650 = arith.addi %add3A_648, %add3A_649 : i32
      %get3A_651 = arith.index_cast %add3A_650 : i32 to index
      %get3A_652 = tpu.vector_load %arg5[%get3A_651] {strides = array<i32>} : memref<32768xf32, #tpu.memory_space<vmem>>, vector<16xf32>,
      %lt3A_653 = arith.cmpf olt, %get3A_652, %select_n3A_579 : vector<16xf32>
      %select_n3A_654 = arith.select %lt3A_653, %get3A_652, %select_n3A_579 : vector<16xi1>, vector<16xf32>
      %select_n3A_655 = arith.select %lt3A_653, %add3A_646, %select_n3A_580 : vector<16xi1>, vector<16xi32>
      %add3A_656 = arith.constant 128 : i32
      %add3A_657 = arith.addi %add3A_569, %add3A_656 : i32
      %add3A_658 = arith.constant 16 : i32
      %add3A_659 = arith.addi %add3A_657, %add3A_658 : i32
      %get3A_660 = arith.index_cast %add3A_659 : i32 to index
      %get3A_661 = tpu.vector_load %arg5[%get3A_660] {strides = array<i32>} : memref<32768xf32, #tpu.memory_space<vmem>>, vector<16xf32>,
      %lt3A_662 = arith.cmpf olt, %get3A_661, %select_n3A_588 : vector<16xf32>
      %select_n3A_663 = arith.select %lt3A_662, %get3A_661, %select_n3A_588 : vector<16xi1>, vector<16xf32>
      %select_n3A_664 = arith.select %lt3A_662, %add3A_646, %select_n3A_589 : vector<16xi1>, vector<16xi32>
      %add3A_665 = arith.constant 256 : i32
      %add3A_666 = arith.addi %add3A_569, %add3A_665 : i32
      %add3A_667 = arith.constant 16 : i32
      %add3A_668 = arith.addi %add3A_666, %add3A_667 : i32
      %get3A_669 = arith.index_cast %add3A_668 : i32 to index
      %get3A_670 = tpu.vector_load %arg5[%get3A_669] {strides = array<i32>} : memref<32768xf32, #tpu.memory_space<vmem>>, vector<16xf32>,
      %lt3A_671 = arith.cmpf olt, %get3A_670, %select_n3A_597 : vector<16xf32>
      %select_n3A_672 = arith.select %lt3A_671, %get3A_670, %select_n3A_597 : vector<16xi1>, vector<16xf32>
      %select_n3A_673 = arith.select %lt3A_671, %add3A_646, %select_n3A_598 : vector<16xi1>, vector<16xi32>
      %add3A_674 = arith.constant 384 : i32
      %add3A_675 = arith.addi %add3A_569, %add3A_674 : i32
      %add3A_676 = arith.constant 16 : i32
      %add3A_677 = arith.addi %add3A_675, %add3A_676 : i32
      %get3A_678 = arith.index_cast %add3A_677 : i32 to index
      %get3A_679 = tpu.vector_load %arg5[%get3A_678] {strides = array<i32>} : memref<32768xf32, #tpu.memory_space<vmem>>, vector<16xf32>,
      %lt3A_680 = arith.cmpf olt, %get3A_679, %select_n3A_606 : vector<16xf32>
      %select_n3A_681 = arith.select %lt3A_680, %get3A_679, %select_n3A_606 : vector<16xi1>, vector<16xf32>
      %select_n3A_682 = arith.select %lt3A_680, %add3A_646, %select_n3A_607 : vector<16xi1>, vector<16xi32>
      %add3A_683 = arith.constant 512 : i32
      %add3A_684 = arith.addi %add3A_569, %add3A_683 : i32
      %add3A_685 = arith.constant 16 : i32
      %add3A_686 = arith.addi %add3A_684, %add3A_685 : i32
      %get3A_687 = arith.index_cast %add3A_686 : i32 to index
      %get3A_688 = tpu.vector_load %arg5[%get3A_687] {strides = array<i32>} : memref<32768xf32, #tpu.memory_space<vmem>>, vector<16xf32>,
      %lt3A_689 = arith.cmpf olt, %get3A_688, %select_n3A_615 : vector<16xf32>
      %select_n3A_690 = arith.select %lt3A_689, %get3A_688, %select_n3A_615 : vector<16xi1>, vector<16xf32>
      %select_n3A_691 = arith.select %lt3A_689, %add3A_646, %select_n3A_616 : vector<16xi1>, vector<16xi32>
      %add3A_692 = arith.constant 640 : i32
      %add3A_693 = arith.addi %add3A_569, %add3A_692 : i32
      %add3A_694 = arith.constant 16 : i32
      %add3A_695 = arith.addi %add3A_693, %add3A_694 : i32
      %get3A_696 = arith.index_cast %add3A_695 : i32 to index
      %get3A_697 = tpu.vector_load %arg5[%get3A_696] {strides = array<i32>} : memref<32768xf32, #tpu.memory_space<vmem>>, vector<16xf32>,
      %lt3A_698 = arith.cmpf olt, %get3A_697, %select_n3A_624 : vector<16xf32>
      %select_n3A_699 = arith.select %lt3A_698, %get3A_697, %select_n3A_624 : vector<16xi1>, vector<16xf32>
      %select_n3A_700 = arith.select %lt3A_698, %add3A_646, %select_n3A_625 : vector<16xi1>, vector<16xi32>
      %add3A_701 = arith.constant 768 : i32
      %add3A_702 = arith.addi %add3A_569, %add3A_701 : i32
      %add3A_703 = arith.constant 16 : i32
      %add3A_704 = arith.addi %add3A_702, %add3A_703 : i32
      %get3A_705 = arith.index_cast %add3A_704 : i32 to index
      %get3A_706 = tpu.vector_load %arg5[%get3A_705] {strides = array<i32>} : memref<32768xf32, #tpu.memory_space<vmem>>, vector<16xf32>,
      %lt3A_707 = arith.cmpf olt, %get3A_706, %select_n3A_633 : vector<16xf32>
      %select_n3A_708 = arith.select %lt3A_707, %get3A_706, %select_n3A_633 : vector<16xi1>, vector<16xf32>
      %select_n3A_709 = arith.select %lt3A_707, %add3A_646, %select_n3A_634 : vector<16xi1>, vector<16xi32>
      %add3A_710 = arith.constant 896 : i32
      %add3A_711 = arith.addi %add3A_569, %add3A_710 : i32
      %add3A_712 = arith.constant 16 : i32
      %add3A_713 = arith.addi %add3A_711, %add3A_712 : i32
      %get3A_714 = arith.index_cast %add3A_713 : i32 to index
      %get3A_715 = tpu.vector_load %arg5[%get3A_714] {strides = array<i32>} : memref<32768xf32, #tpu.memory_space<vmem>>, vector<16xf32>,
      %lt3A_716 = arith.cmpf olt, %get3A_715, %select_n3A_642 : vector<16xf32>
      %select_n3A_717 = arith.select %lt3A_716, %get3A_715, %select_n3A_642 : vector<16xi1>, vector<16xf32>
      %select_n3A_718 = arith.select %lt3A_716, %add3A_646, %select_n3A_643 : vector<16xi1>, vector<16xi32>
      %add3A_719 = arith.constant 2 : i32
      %add3A_720 = vector.broadcast %add3A_719 : i32 to vector<16xi32>
      %add3A_721 = arith.addi %scan3A_531, %add3A_720 : vector<16xi32>
      %add3A_722 = arith.constant 0 : i32
      %add3A_723 = arith.addi %add3A_569, %add3A_722 : i32
      %add3A_724 = arith.constant 32 : i32
      %add3A_725 = arith.addi %add3A_723, %add3A_724 : i32
      %get3A_726 = arith.index_cast %add3A_725 : i32 to index
      %get3A_727 = tpu.vector_load %arg5[%get3A_726] {strides = array<i32>} : memref<32768xf32, #tpu.memory_space<vmem>>, vector<16xf32>,
      %lt3A_728 = arith.cmpf olt, %get3A_727, %select_n3A_654 : vector<16xf32>
      %select_n3A_729 = arith.select %lt3A_728, %get3A_727, %select_n3A_654 : vector<16xi1>, vector<16xf32>
      %select_n3A_730 = arith.select %lt3A_728, %add3A_721, %select_n3A_655 : vector<16xi1>, vector<16xi32>
      %add3A_731 = arith.constant 128 : i32
      %add3A_732 = arith.addi %add3A_569, %add3A_731 : i32
      %add3A_733 = arith.constant 32 : i32
      %add3A_734 = arith.addi %add3A_732, %add3A_733 : i32
      %get3A_735 = arith.index_cast %add3A_734 : i32 to index
      %get3A_736 = tpu.vector_load %arg5[%get3A_735] {strides = array<i32>} : memref<32768xf32, #tpu.memory_space<vmem>>, vector<16xf32>,
      %lt3A_737 = arith.cmpf olt, %get3A_736, %select_n3A_663 : vector<16xf32>
      %select_n3A_738 = arith.select %lt3A_737, %get3A_736, %select_n3A_663 : vector<16xi1>, vector<16xf32>
      %select_n3A_739 = arith.select %lt3A_737, %add3A_721, %select_n3A_664 : vector<16xi1>, vector<16xi32>
      %add3A_740 = arith.constant 256 : i32
      %add3A_741 = arith.addi %add3A_569, %add3A_740 : i32
      %add3A_742 = arith.constant 32 : i32
      %add3A_743 = arith.addi %add3A_741, %add3A_742 : i32
      %get3A_744 = arith.index_cast %add3A_743 : i32 to index
      %get3A_745 = tpu.vector_load %arg5[%get3A_744] {strides = array<i32>} : memref<32768xf32, #tpu.memory_space<vmem>>, vector<16xf32>,
      %lt3A_746 = arith.cmpf olt, %get3A_745, %select_n3A_672 : vector<16xf32>
      %select_n3A_747 = arith.select %lt3A_746, %get3A_745, %select_n3A_672 : vector<16xi1>, vector<16xf32>
      %select_n3A_748 = arith.select %lt3A_746, %add3A_721, %select_n3A_673 : vector<16xi1>, vector<16xi32>
      %add3A_749 = arith.constant 384 : i32
      %add3A_750 = arith.addi %add3A_569, %add3A_749 : i32
      %add3A_751 = arith.constant 32 : i32
      %add3A_752 = arith.addi %add3A_750, %add3A_751 : i32
      %get3A_753 = arith.index_cast %add3A_752 : i32 to index
      %get3A_754 = tpu.vector_load %arg5[%get3A_753] {strides = array<i32>} : memref<32768xf32, #tpu.memory_space<vmem>>, vector<16xf32>,
      %lt3A_755 = arith.cmpf olt, %get3A_754, %select_n3A_681 : vector<16xf32>
      %select_n3A_756 = arith.select %lt3A_755, %get3A_754, %select_n3A_681 : vector<16xi1>, vector<16xf32>
      %select_n3A_757 = arith.select %lt3A_755, %add3A_721, %select_n3A_682 : vector<16xi1>, vector<16xi32>
      %add3A_758 = arith.constant 512 : i32
      %add3A_759 = arith.addi %add3A_569, %add3A_758 : i32
      %add3A_760 = arith.constant 32 : i32
      %add3A_761 = arith.addi %add3A_759, %add3A_760 : i32
      %get3A_762 = arith.index_cast %add3A_761 : i32 to index
      %get3A_763 = tpu.vector_load %arg5[%get3A_762] {strides = array<i32>} : memref<32768xf32, #tpu.memory_space<vmem>>, vector<16xf32>,
      %lt3A_764 = arith.cmpf olt, %get3A_763, %select_n3A_690 : vector<16xf32>
      %select_n3A_765 = arith.select %lt3A_764, %get3A_763, %select_n3A_690 : vector<16xi1>, vector<16xf32>
      %select_n3A_766 = arith.select %lt3A_764, %add3A_721, %select_n3A_691 : vector<16xi1>, vector<16xi32>
      %add3A_767 = arith.constant 640 : i32
      %add3A_768 = arith.addi %add3A_569, %add3A_767 : i32
      %add3A_769 = arith.constant 32 : i32
      %add3A_770 = arith.addi %add3A_768, %add3A_769 : i32
      %get3A_771 = arith.index_cast %add3A_770 : i32 to index
      %get3A_772 = tpu.vector_load %arg5[%get3A_771] {strides = array<i32>} : memref<32768xf32, #tpu.memory_space<vmem>>, vector<16xf32>,
      %lt3A_773 = arith.cmpf olt, %get3A_772, %select_n3A_699 : vector<16xf32>
      %select_n3A_774 = arith.select %lt3A_773, %get3A_772, %select_n3A_699 : vector<16xi1>, vector<16xf32>
      %select_n3A_775 = arith.select %lt3A_773, %add3A_721, %select_n3A_700 : vector<16xi1>, vector<16xi32>
      %add3A_776 = arith.constant 768 : i32
      %add3A_777 = arith.addi %add3A_569, %add3A_776 : i32
      %add3A_778 = arith.constant 32 : i32
      %add3A_779 = arith.addi %add3A_777, %add3A_778 : i32
      %get3A_780 = arith.index_cast %add3A_779 : i32 to index
      %get3A_781 = tpu.vector_load %arg5[%get3A_780] {strides = array<i32>} : memref<32768xf32, #tpu.memory_space<vmem>>, vector<16xf32>,
      %lt3A_782 = arith.cmpf olt, %get3A_781, %select_n3A_708 : vector<16xf32>
      %select_n3A_783 = arith.select %lt3A_782, %get3A_781, %select_n3A_708 : vector<16xi1>, vector<16xf32>
      %select_n3A_784 = arith.select %lt3A_782, %add3A_721, %select_n3A_709 : vector<16xi1>, vector<16xi32>
      %add3A_785 = arith.constant 896 : i32
      %add3A_786 = arith.addi %add3A_569, %add3A_785 : i32
      %add3A_787 = arith.constant 32 : i32
      %add3A_788 = arith.addi %add3A_786, %add3A_787 : i32
      %get3A_789 = arith.index_cast %add3A_788 : i32 to index
      %get3A_790 = tpu.vector_load %arg5[%get3A_789] {strides = array<i32>} : memref<32768xf32, #tpu.memory_space<vmem>>, vector<16xf32>,
      %lt3A_791 = arith.cmpf olt, %get3A_790, %select_n3A_717 : vector<16xf32>
      %select_n3A_792 = arith.select %lt3A_791, %get3A_790, %select_n3A_717 : vector<16xi1>, vector<16xf32>
      %select_n3A_793 = arith.select %lt3A_791, %add3A_721, %select_n3A_718 : vector<16xi1>, vector<16xi32>
      %add3A_794 = arith.constant 3 : i32
      %add3A_795 = vector.broadcast %add3A_794 : i32 to vector<16xi32>
      %add3A_796 = arith.addi %scan3A_531, %add3A_795 : vector<16xi32>
      %add3A_797 = arith.constant 0 : i32
      %add3A_798 = arith.addi %add3A_569, %add3A_797 : i32
      %add3A_799 = arith.constant 48 : i32
      %add3A_800 = arith.addi %add3A_798, %add3A_799 : i32
      %get3A_801 = arith.index_cast %add3A_800 : i32 to index
      %get3A_802 = tpu.vector_load %arg5[%get3A_801] {strides = array<i32>} : memref<32768xf32, #tpu.memory_space<vmem>>, vector<16xf32>,
      %lt3A_803 = arith.cmpf olt, %get3A_802, %select_n3A_729 : vector<16xf32>
      %select_n3A_804 = arith.select %lt3A_803, %get3A_802, %select_n3A_729 : vector<16xi1>, vector<16xf32>
      %select_n3A_805 = arith.select %lt3A_803, %add3A_796, %select_n3A_730 : vector<16xi1>, vector<16xi32>
      %add3A_806 = arith.constant 128 : i32
      %add3A_807 = arith.addi %add3A_569, %add3A_806 : i32
      %add3A_808 = arith.constant 48 : i32
      %add3A_809 = arith.addi %add3A_807, %add3A_808 : i32
      %get3A_810 = arith.index_cast %add3A_809 : i32 to index
      %get3A_811 = tpu.vector_load %arg5[%get3A_810] {strides = array<i32>} : memref<32768xf32, #tpu.memory_space<vmem>>, vector<16xf32>,
      %lt3A_812 = arith.cmpf olt, %get3A_811, %select_n3A_738 : vector<16xf32>
      %select_n3A_813 = arith.select %lt3A_812, %get3A_811, %select_n3A_738 : vector<16xi1>, vector<16xf32>
      %select_n3A_814 = arith.select %lt3A_812, %add3A_796, %select_n3A_739 : vector<16xi1>, vector<16xi32>
      %add3A_815 = arith.constant 256 : i32
      %add3A_816 = arith.addi %add3A_569, %add3A_815 : i32
      %add3A_817 = arith.constant 48 : i32
      %add3A_818 = arith.addi %add3A_816, %add3A_817 : i32
      %get3A_819 = arith.index_cast %add3A_818 : i32 to index
      %get3A_820 = tpu.vector_load %arg5[%get3A_819] {strides = array<i32>} : memref<32768xf32, #tpu.memory_space<vmem>>, vector<16xf32>,
      %lt3A_821 = arith.cmpf olt, %get3A_820, %select_n3A_747 : vector<16xf32>
      %select_n3A_822 = arith.select %lt3A_821, %get3A_820, %select_n3A_747 : vector<16xi1>, vector<16xf32>
      %select_n3A_823 = arith.select %lt3A_821, %add3A_796, %select_n3A_748 : vector<16xi1>, vector<16xi32>
      %add3A_824 = arith.constant 384 : i32
      %add3A_825 = arith.addi %add3A_569, %add3A_824 : i32
      %add3A_826 = arith.constant 48 : i32
      %add3A_827 = arith.addi %add3A_825, %add3A_826 : i32
      %get3A_828 = arith.index_cast %add3A_827 : i32 to index
      %get3A_829 = tpu.vector_load %arg5[%get3A_828] {strides = array<i32>} : memref<32768xf32, #tpu.memory_space<vmem>>, vector<16xf32>,
      %lt3A_830 = arith.cmpf olt, %get3A_829, %select_n3A_756 : vector<16xf32>
      %select_n3A_831 = arith.select %lt3A_830, %get3A_829, %select_n3A_756 : vector<16xi1>, vector<16xf32>
      %select_n3A_832 = arith.select %lt3A_830, %add3A_796, %select_n3A_757 : vector<16xi1>, vector<16xi32>
      %add3A_833 = arith.constant 512 : i32
      %add3A_834 = arith.addi %add3A_569, %add3A_833 : i32
      %add3A_835 = arith.constant 48 : i32
      %add3A_836 = arith.addi %add3A_834, %add3A_835 : i32
      %get3A_837 = arith.index_cast %add3A_836 : i32 to index
      %get3A_838 = tpu.vector_load %arg5[%get3A_837] {strides = array<i32>} : memref<32768xf32, #tpu.memory_space<vmem>>, vector<16xf32>,
      %lt3A_839 = arith.cmpf olt, %get3A_838, %select_n3A_765 : vector<16xf32>
      %select_n3A_840 = arith.select %lt3A_839, %get3A_838, %select_n3A_765 : vector<16xi1>, vector<16xf32>
      %select_n3A_841 = arith.select %lt3A_839, %add3A_796, %select_n3A_766 : vector<16xi1>, vector<16xi32>
      %add3A_842 = arith.constant 640 : i32
      %add3A_843 = arith.addi %add3A_569, %add3A_842 : i32
      %add3A_844 = arith.constant 48 : i32
      %add3A_845 = arith.addi %add3A_843, %add3A_844 : i32
      %get3A_846 = arith.index_cast %add3A_845 : i32 to index
      %get3A_847 = tpu.vector_load %arg5[%get3A_846] {strides = array<i32>} : memref<32768xf32, #tpu.memory_space<vmem>>, vector<16xf32>,
      %lt3A_848 = arith.cmpf olt, %get3A_847, %select_n3A_774 : vector<16xf32>
      %select_n3A_849 = arith.select %lt3A_848, %get3A_847, %select_n3A_774 : vector<16xi1>, vector<16xf32>
      %select_n3A_850 = arith.select %lt3A_848, %add3A_796, %select_n3A_775 : vector<16xi1>, vector<16xi32>
      %add3A_851 = arith.constant 768 : i32
      %add3A_852 = arith.addi %add3A_569, %add3A_851 : i32
      %add3A_853 = arith.constant 48 : i32
      %add3A_854 = arith.addi %add3A_852, %add3A_853 : i32
      %get3A_855 = arith.index_cast %add3A_854 : i32 to index
      %get3A_856 = tpu.vector_load %arg5[%get3A_855] {strides = array<i32>} : memref<32768xf32, #tpu.memory_space<vmem>>, vector<16xf32>,
      %lt3A_857 = arith.cmpf olt, %get3A_856, %select_n3A_783 : vector<16xf32>
      %select_n3A_858 = arith.select %lt3A_857, %get3A_856, %select_n3A_783 : vector<16xi1>, vector<16xf32>
      %select_n3A_859 = arith.select %lt3A_857, %add3A_796, %select_n3A_784 : vector<16xi1>, vector<16xi32>
      %add3A_860 = arith.constant 896 : i32
      %add3A_861 = arith.addi %add3A_569, %add3A_860 : i32
      %add3A_862 = arith.constant 48 : i32
      %add3A_863 = arith.addi %add3A_861, %add3A_862 : i32
      %get3A_864 = arith.index_cast %add3A_863 : i32 to index
      %get3A_865 = tpu.vector_load %arg5[%get3A_864] {strides = array<i32>} : memref<32768xf32, #tpu.memory_space<vmem>>, vector<16xf32>,
      %lt3A_866 = arith.cmpf olt, %get3A_865, %select_n3A_792 : vector<16xf32>
      %select_n3A_867 = arith.select %lt3A_866, %get3A_865, %select_n3A_792 : vector<16xi1>, vector<16xf32>
      %select_n3A_868 = arith.select %lt3A_866, %add3A_796, %select_n3A_793 : vector<16xi1>, vector<16xi32>
      %add3A_869 = arith.constant 4 : i32
      %add3A_870 = vector.broadcast %add3A_869 : i32 to vector<16xi32>
      %add3A_871 = arith.addi %scan3A_531, %add3A_870 : vector<16xi32>
      scf.yield %select_n3A_804, %select_n3A_813, %select_n3A_822, %select_n3A_831, %select_n3A_840, %select_n3A_849, %select_n3A_858, %select_n3A_867, %select_n3A_805, %select_n3A_814, %select_n3A_823, %select_n3A_832, %select_n3A_841, %select_n3A_850, %select_n3A_859, %select_n3A_868, %add3A_871 : vector<16xf32>, vector<16xf32>, vector<16xf32>, vector<16xf32>, vector<16xf32>, vector<16xf32>, vector<16xf32>, vector<16xf32>, vector<16xi32>, vector<16xi32>, vector<16xi32>, vector<16xi32>, vector<16xi32>, vector<16xi32>, vector<16xi32>, vector<16xi32>, vector<16xi32>
    }
    %scan3A_302 = arith.constant 64 : i32
    %mul3A_303 = arith.constant 16 : i32
    %mul3A_304 = vector.broadcast %mul3A_303 : i32 to vector<16xi32>
    %mul3A_305 = arith.muli %scan3A_301#8, %mul3A_304 : vector<16xi32>
    %add3A_306 = arith.addi %mul3A_305, %iota3A : vector<16xi32>
    %reduce_min3A_307 = arith.constant true
    %reduce_min3A_308 = vector.broadcast %reduce_min3A_307 : i1 to vector<16xi1>
    %reduce_min3A_309 = tpu.scan <min>, %scan3A_301#0 masked %reduce_min3A_308 : vector<16xf32>, vector<16xi1> -> vector<16xf32>
    %reduce_min3A_310 = vector.extract %reduce_min3A_309[15] : f32 from vector<16xf32>
    %eq3A_311 = vector.broadcast %reduce_min3A_310 : f32 to vector<16xf32>
    %eq3A_312 = arith.cmpf oeq, %scan3A_301#0, %eq3A_311 : vector<16xf32>
    %jit3A_313 = arith.constant 2147483647 : i32
    %broadcast_in_dim3A_314 = vector.broadcast %jit3A_313 : i32 to vector<16xi32>
    %select_n3A_315 = arith.select %eq3A_312, %add3A_306, %broadcast_in_dim3A_314 : vector<16xi1>, vector<16xi32>
    %reduce_min3A_316 = arith.constant true
    %reduce_min3A_317 = vector.broadcast %reduce_min3A_316 : i1 to vector<16xi1>
    %reduce_min3A_318 = arith.constant -2147483648 : i32
    %reduce_min3A_319 = vector.broadcast %reduce_min3A_318 : i32 to vector<16xi32>
    %reduce_min3A_320 = arith.xori %select_n3A_315, %reduce_min3A_319 : vector<16xi32>
    %reduce_min3A_321 = tpu.scan <min>, %reduce_min3A_320 masked %reduce_min3A_317 : vector<16xi32>, vector<16xi1> -> vector<16xi32>
    %reduce_min3A_322 = arith.xori %reduce_min3A_321, %reduce_min3A_319 : vector<16xi32>
    %reduce_min3A_323 = vector.extract %reduce_min3A_322[15] : i32 from vector<16xi32>
    %eq3A_324 = arith.constant 8 : i32
    %eq3A_325 = vector.broadcast %eq3A_324 : i32 to vector<16xi32>
    %eq3A_326 = arith.cmpi eq, %iota3A, %eq3A_325 : vector<16xi32>
    %broadcast_in_dim3A_327 = vector.broadcast %reduce_min3A_323 : i32 to vector<16xi32>
    %select_n3A_328 = arith.select %eq3A_326, %broadcast_in_dim3A_327, %select_n3A_260 : vector<16xi1>, vector<16xi32>
    %mul3A_329 = arith.constant 16 : i32
    %mul3A_330 = vector.broadcast %mul3A_329 : i32 to vector<16xi32>
    %mul3A_331 = arith.muli %scan3A_301#9, %mul3A_330 : vector<16xi32>
    %add3A_332 = arith.addi %mul3A_331, %iota3A : vector<16xi32>
    %reduce_min3A_333 = arith.constant true
    %reduce_min3A_334 = vector.broadcast %reduce_min3A_333 : i1 to vector<16xi1>
    %reduce_min3A_335 = tpu.scan <min>, %scan3A_301#1 masked %reduce_min3A_334 : vector<16xf32>, vector<16xi1> -> vector<16xf32>
    %reduce_min3A_336 = vector.extract %reduce_min3A_335[15] : f32 from vector<16xf32>
    %eq3A_337 = vector.broadcast %reduce_min3A_336 : f32 to vector<16xf32>
    %eq3A_338 = arith.cmpf oeq, %scan3A_301#1, %eq3A_337 : vector<16xf32>
    %jit3A_339 = arith.constant 2147483647 : i32
    %broadcast_in_dim3A_340 = vector.broadcast %jit3A_339 : i32 to vector<16xi32>
    %select_n3A_341 = arith.select %eq3A_338, %add3A_332, %broadcast_in_dim3A_340 : vector<16xi1>, vector<16xi32>
    %reduce_min3A_342 = arith.constant true
    %reduce_min3A_343 = vector.broadcast %reduce_min3A_342 : i1 to vector<16xi1>
    %reduce_min3A_344 = arith.constant -2147483648 : i32
    %reduce_min3A_345 = vector.broadcast %reduce_min3A_344 : i32 to vector<16xi32>
    %reduce_min3A_346 = arith.xori %select_n3A_341, %reduce_min3A_345 : vector<16xi32>
    %reduce_min3A_347 = tpu.scan <min>, %reduce_min3A_346 masked %reduce_min3A_343 : vector<16xi32>, vector<16xi1> -> vector<16xi32>
    %reduce_min3A_348 = arith.xori %reduce_min3A_347, %reduce_min3A_345 : vector<16xi32>
    %reduce_min3A_349 = vector.extract %reduce_min3A_348[15] : i32 from vector<16xi32>
    %eq3A_350 = arith.constant 9 : i32
    %eq3A_351 = vector.broadcast %eq3A_350 : i32 to vector<16xi32>
    %eq3A_352 = arith.cmpi eq, %iota3A, %eq3A_351 : vector<16xi32>
    %broadcast_in_dim3A_353 = vector.broadcast %reduce_min3A_349 : i32 to vector<16xi32>
    %select_n3A_354 = arith.select %eq3A_352, %broadcast_in_dim3A_353, %select_n3A_328 : vector<16xi1>, vector<16xi32>
    %mul3A_355 = arith.constant 16 : i32
    %mul3A_356 = vector.broadcast %mul3A_355 : i32 to vector<16xi32>
    %mul3A_357 = arith.muli %scan3A_301#10, %mul3A_356 : vector<16xi32>
    %add3A_358 = arith.addi %mul3A_357, %iota3A : vector<16xi32>
    %reduce_min3A_359 = arith.constant true
    %reduce_min3A_360 = vector.broadcast %reduce_min3A_359 : i1 to vector<16xi1>
    %reduce_min3A_361 = tpu.scan <min>, %scan3A_301#2 masked %reduce_min3A_360 : vector<16xf32>, vector<16xi1> -> vector<16xf32>
    %reduce_min3A_362 = vector.extract %reduce_min3A_361[15] : f32 from vector<16xf32>
    %eq3A_363 = vector.broadcast %reduce_min3A_362 : f32 to vector<16xf32>
    %eq3A_364 = arith.cmpf oeq, %scan3A_301#2, %eq3A_363 : vector<16xf32>
    %jit3A_365 = arith.constant 2147483647 : i32
    %broadcast_in_dim3A_366 = vector.broadcast %jit3A_365 : i32 to vector<16xi32>
    %select_n3A_367 = arith.select %eq3A_364, %add3A_358, %broadcast_in_dim3A_366 : vector<16xi1>, vector<16xi32>
    %reduce_min3A_368 = arith.constant true
    %reduce_min3A_369 = vector.broadcast %reduce_min3A_368 : i1 to vector<16xi1>
    %reduce_min3A_370 = arith.constant -2147483648 : i32
    %reduce_min3A_371 = vector.broadcast %reduce_min3A_370 : i32 to vector<16xi32>
    %reduce_min3A_372 = arith.xori %select_n3A_367, %reduce_min3A_371 : vector<16xi32>
    %reduce_min3A_373 = tpu.scan <min>, %reduce_min3A_372 masked %reduce_min3A_369 : vector<16xi32>, vector<16xi1> -> vector<16xi32>
    %reduce_min3A_374 = arith.xori %reduce_min3A_373, %reduce_min3A_371 : vector<16xi32>
    %reduce_min3A_375 = vector.extract %reduce_min3A_374[15] : i32 from vector<16xi32>
    %eq3A_376 = arith.constant 10 : i32
    %eq3A_377 = vector.broadcast %eq3A_376 : i32 to vector<16xi32>
    %eq3A_378 = arith.cmpi eq, %iota3A, %eq3A_377 : vector<16xi32>
    %broadcast_in_dim3A_379 = vector.broadcast %reduce_min3A_375 : i32 to vector<16xi32>
    %select_n3A_380 = arith.select %eq3A_378, %broadcast_in_dim3A_379, %select_n3A_354 : vector<16xi1>, vector<16xi32>
    %mul3A_381 = arith.constant 16 : i32
    %mul3A_382 = vector.broadcast %mul3A_381 : i32 to vector<16xi32>
    %mul3A_383 = arith.muli %scan3A_301#11, %mul3A_382 : vector<16xi32>
    %add3A_384 = arith.addi %mul3A_383, %iota3A : vector<16xi32>
    %reduce_min3A_385 = arith.constant true
    %reduce_min3A_386 = vector.broadcast %reduce_min3A_385 : i1 to vector<16xi1>
    %reduce_min3A_387 = tpu.scan <min>, %scan3A_301#3 masked %reduce_min3A_386 : vector<16xf32>, vector<16xi1> -> vector<16xf32>
    %reduce_min3A_388 = vector.extract %reduce_min3A_387[15] : f32 from vector<16xf32>
    %eq3A_389 = vector.broadcast %reduce_min3A_388 : f32 to vector<16xf32>
    %eq3A_390 = arith.cmpf oeq, %scan3A_301#3, %eq3A_389 : vector<16xf32>
    %jit3A_391 = arith.constant 2147483647 : i32
    %broadcast_in_dim3A_392 = vector.broadcast %jit3A_391 : i32 to vector<16xi32>
    %select_n3A_393 = arith.select %eq3A_390, %add3A_384, %broadcast_in_dim3A_392 : vector<16xi1>, vector<16xi32>
    %reduce_min3A_394 = arith.constant true
    %reduce_min3A_395 = vector.broadcast %reduce_min3A_394 : i1 to vector<16xi1>
    %reduce_min3A_396 = arith.constant -2147483648 : i32
    %reduce_min3A_397 = vector.broadcast %reduce_min3A_396 : i32 to vector<16xi32>
    %reduce_min3A_398 = arith.xori %select_n3A_393, %reduce_min3A_397 : vector<16xi32>
    %reduce_min3A_399 = tpu.scan <min>, %reduce_min3A_398 masked %reduce_min3A_395 : vector<16xi32>, vector<16xi1> -> vector<16xi32>
    %reduce_min3A_400 = arith.xori %reduce_min3A_399, %reduce_min3A_397 : vector<16xi32>
    %reduce_min3A_401 = vector.extract %reduce_min3A_400[15] : i32 from vector<16xi32>
    %eq3A_402 = arith.constant 11 : i32
    %eq3A_403 = vector.broadcast %eq3A_402 : i32 to vector<16xi32>
    %eq3A_404 = arith.cmpi eq, %iota3A, %eq3A_403 : vector<16xi32>
    %broadcast_in_dim3A_405 = vector.broadcast %reduce_min3A_401 : i32 to vector<16xi32>
    %select_n3A_406 = arith.select %eq3A_404, %broadcast_in_dim3A_405, %select_n3A_380 : vector<16xi1>, vector<16xi32>
    %mul3A_407 = arith.constant 16 : i32
    %mul3A_408 = vector.broadcast %mul3A_407 : i32 to vector<16xi32>
    %mul3A_409 = arith.muli %scan3A_301#12, %mul3A_408 : vector<16xi32>
    %add3A_410 = arith.addi %mul3A_409, %iota3A : vector<16xi32>
    %reduce_min3A_411 = arith.constant true
    %reduce_min3A_412 = vector.broadcast %reduce_min3A_411 : i1 to vector<16xi1>
    %reduce_min3A_413 = tpu.scan <min>, %scan3A_301#4 masked %reduce_min3A_412 : vector<16xf32>, vector<16xi1> -> vector<16xf32>
    %reduce_min3A_414 = vector.extract %reduce_min3A_413[15] : f32 from vector<16xf32>
    %eq3A_415 = vector.broadcast %reduce_min3A_414 : f32 to vector<16xf32>
    %eq3A_416 = arith.cmpf oeq, %scan3A_301#4, %eq3A_415 : vector<16xf32>
    %jit3A_417 = arith.constant 2147483647 : i32
    %broadcast_in_dim3A_418 = vector.broadcast %jit3A_417 : i32 to vector<16xi32>
    %select_n3A_419 = arith.select %eq3A_416, %add3A_410, %broadcast_in_dim3A_418 : vector<16xi1>, vector<16xi32>
    %reduce_min3A_420 = arith.constant true
    %reduce_min3A_421 = vector.broadcast %reduce_min3A_420 : i1 to vector<16xi1>
    %reduce_min3A_422 = arith.constant -2147483648 : i32
    %reduce_min3A_423 = vector.broadcast %reduce_min3A_422 : i32 to vector<16xi32>
    %reduce_min3A_424 = arith.xori %select_n3A_419, %reduce_min3A_423 : vector<16xi32>
    %reduce_min3A_425 = tpu.scan <min>, %reduce_min3A_424 masked %reduce_min3A_421 : vector<16xi32>, vector<16xi1> -> vector<16xi32>
    %reduce_min3A_426 = arith.xori %reduce_min3A_425, %reduce_min3A_423 : vector<16xi32>
    %reduce_min3A_427 = vector.extract %reduce_min3A_426[15] : i32 from vector<16xi32>
    %eq3A_428 = arith.constant 12 : i32
    %eq3A_429 = vector.broadcast %eq3A_428 : i32 to vector<16xi32>
    %eq3A_430 = arith.cmpi eq, %iota3A, %eq3A_429 : vector<16xi32>
    %broadcast_in_dim3A_431 = vector.broadcast %reduce_min3A_427 : i32 to vector<16xi32>
    %select_n3A_432 = arith.select %eq3A_430, %broadcast_in_dim3A_431, %select_n3A_406 : vector<16xi1>, vector<16xi32>
    %mul3A_433 = arith.constant 16 : i32
    %mul3A_434 = vector.broadcast %mul3A_433 : i32 to vector<16xi32>
    %mul3A_435 = arith.muli %scan3A_301#13, %mul3A_434 : vector<16xi32>
    %add3A_436 = arith.addi %mul3A_435, %iota3A : vector<16xi32>
    %reduce_min3A_437 = arith.constant true
    %reduce_min3A_438 = vector.broadcast %reduce_min3A_437 : i1 to vector<16xi1>
    %reduce_min3A_439 = tpu.scan <min>, %scan3A_301#5 masked %reduce_min3A_438 : vector<16xf32>, vector<16xi1> -> vector<16xf32>
    %reduce_min3A_440 = vector.extract %reduce_min3A_439[15] : f32 from vector<16xf32>
    %eq3A_441 = vector.broadcast %reduce_min3A_440 : f32 to vector<16xf32>
    %eq3A_442 = arith.cmpf oeq, %scan3A_301#5, %eq3A_441 : vector<16xf32>
    %jit3A_443 = arith.constant 2147483647 : i32
    %broadcast_in_dim3A_444 = vector.broadcast %jit3A_443 : i32 to vector<16xi32>
    %select_n3A_445 = arith.select %eq3A_442, %add3A_436, %broadcast_in_dim3A_444 : vector<16xi1>, vector<16xi32>
    %reduce_min3A_446 = arith.constant true
    %reduce_min3A_447 = vector.broadcast %reduce_min3A_446 : i1 to vector<16xi1>
    %reduce_min3A_448 = arith.constant -2147483648 : i32
    %reduce_min3A_449 = vector.broadcast %reduce_min3A_448 : i32 to vector<16xi32>
    %reduce_min3A_450 = arith.xori %select_n3A_445, %reduce_min3A_449 : vector<16xi32>
    %reduce_min3A_451 = tpu.scan <min>, %reduce_min3A_450 masked %reduce_min3A_447 : vector<16xi32>, vector<16xi1> -> vector<16xi32>
    %reduce_min3A_452 = arith.xori %reduce_min3A_451, %reduce_min3A_449 : vector<16xi32>
    %reduce_min3A_453 = vector.extract %reduce_min3A_452[15] : i32 from vector<16xi32>
    %eq3A_454 = arith.constant 13 : i32
    %eq3A_455 = vector.broadcast %eq3A_454 : i32 to vector<16xi32>
    %eq3A_456 = arith.cmpi eq, %iota3A, %eq3A_455 : vector<16xi32>
    %broadcast_in_dim3A_457 = vector.broadcast %reduce_min3A_453 : i32 to vector<16xi32>
    %select_n3A_458 = arith.select %eq3A_456, %broadcast_in_dim3A_457, %select_n3A_432 : vector<16xi1>, vector<16xi32>
    %mul3A_459 = arith.constant 16 : i32
    %mul3A_460 = vector.broadcast %mul3A_459 : i32 to vector<16xi32>
    %mul3A_461 = arith.muli %scan3A_301#14, %mul3A_460 : vector<16xi32>
    %add3A_462 = arith.addi %mul3A_461, %iota3A : vector<16xi32>
    %reduce_min3A_463 = arith.constant true
    %reduce_min3A_464 = vector.broadcast %reduce_min3A_463 : i1 to vector<16xi1>
    %reduce_min3A_465 = tpu.scan <min>, %scan3A_301#6 masked %reduce_min3A_464 : vector<16xf32>, vector<16xi1> -> vector<16xf32>
    %reduce_min3A_466 = vector.extract %reduce_min3A_465[15] : f32 from vector<16xf32>
    %eq3A_467 = vector.broadcast %reduce_min3A_466 : f32 to vector<16xf32>
    %eq3A_468 = arith.cmpf oeq, %scan3A_301#6, %eq3A_467 : vector<16xf32>
    %jit3A_469 = arith.constant 2147483647 : i32
    %broadcast_in_dim3A_470 = vector.broadcast %jit3A_469 : i32 to vector<16xi32>
    %select_n3A_471 = arith.select %eq3A_468, %add3A_462, %broadcast_in_dim3A_470 : vector<16xi1>, vector<16xi32>
    %reduce_min3A_472 = arith.constant true
    %reduce_min3A_473 = vector.broadcast %reduce_min3A_472 : i1 to vector<16xi1>
    %reduce_min3A_474 = arith.constant -2147483648 : i32
    %reduce_min3A_475 = vector.broadcast %reduce_min3A_474 : i32 to vector<16xi32>
    %reduce_min3A_476 = arith.xori %select_n3A_471, %reduce_min3A_475 : vector<16xi32>
    %reduce_min3A_477 = tpu.scan <min>, %reduce_min3A_476 masked %reduce_min3A_473 : vector<16xi32>, vector<16xi1> -> vector<16xi32>
    %reduce_min3A_478 = arith.xori %reduce_min3A_477, %reduce_min3A_475 : vector<16xi32>
    %reduce_min3A_479 = vector.extract %reduce_min3A_478[15] : i32 from vector<16xi32>
    %eq3A_480 = arith.constant 14 : i32
    %eq3A_481 = vector.broadcast %eq3A_480 : i32 to vector<16xi32>
    %eq3A_482 = arith.cmpi eq, %iota3A, %eq3A_481 : vector<16xi32>
    %broadcast_in_dim3A_483 = vector.broadcast %reduce_min3A_479 : i32 to vector<16xi32>
    %select_n3A_484 = arith.select %eq3A_482, %broadcast_in_dim3A_483, %select_n3A_458 : vector<16xi1>, vector<16xi32>
    %mul3A_485 = arith.constant 16 : i32
    %mul3A_486 = vector.broadcast %mul3A_485 : i32 to vector<16xi32>
    %mul3A_487 = arith.muli %scan3A_301#15, %mul3A_486 : vector<16xi32>
    %add3A_488 = arith.addi %mul3A_487, %iota3A : vector<16xi32>
    %reduce_min3A_489 = arith.constant true
    %reduce_min3A_490 = vector.broadcast %reduce_min3A_489 : i1 to vector<16xi1>
    %reduce_min3A_491 = tpu.scan <min>, %scan3A_301#7 masked %reduce_min3A_490 : vector<16xf32>, vector<16xi1> -> vector<16xf32>
    %reduce_min3A_492 = vector.extract %reduce_min3A_491[15] : f32 from vector<16xf32>
    %eq3A_493 = vector.broadcast %reduce_min3A_492 : f32 to vector<16xf32>
    %eq3A_494 = arith.cmpf oeq, %scan3A_301#7, %eq3A_493 : vector<16xf32>
    %jit3A_495 = arith.constant 2147483647 : i32
    %broadcast_in_dim3A_496 = vector.broadcast %jit3A_495 : i32 to vector<16xi32>
    %select_n3A_497 = arith.select %eq3A_494, %add3A_488, %broadcast_in_dim3A_496 : vector<16xi1>, vector<16xi32>
    %reduce_min3A_498 = arith.constant true
    %reduce_min3A_499 = vector.broadcast %reduce_min3A_498 : i1 to vector<16xi1>
    %reduce_min3A_500 = arith.constant -2147483648 : i32
    %reduce_min3A_501 = vector.broadcast %reduce_min3A_500 : i32 to vector<16xi32>
    %reduce_min3A_502 = arith.xori %select_n3A_497, %reduce_min3A_501 : vector<16xi32>
    %reduce_min3A_503 = tpu.scan <min>, %reduce_min3A_502 masked %reduce_min3A_499 : vector<16xi32>, vector<16xi1> -> vector<16xi32>
    %reduce_min3A_504 = arith.xori %reduce_min3A_503, %reduce_min3A_501 : vector<16xi32>
    %reduce_min3A_505 = vector.extract %reduce_min3A_504[15] : i32 from vector<16xi32>
    %eq3A_506 = arith.constant 15 : i32
    %eq3A_507 = vector.broadcast %eq3A_506 : i32 to vector<16xi32>
    %eq3A_508 = arith.cmpi eq, %iota3A, %eq3A_507 : vector<16xi32>
    %broadcast_in_dim3A_509 = vector.broadcast %reduce_min3A_505 : i32 to vector<16xi32>
    %select_n3A_510 = arith.select %eq3A_508, %broadcast_in_dim3A_509, %select_n3A_484 : vector<16xi1>, vector<16xi32>
    %swap3A = arith.constant 0 : index
    %swap3A_511 = tpu.vector_load %arg6[%swap3A] {strides = array<i32>} : memref<16xi32, #tpu.memory_space<vmem>>, vector<16xi32>,
    tpu.vector_store %arg6[%swap3A], %select_n3A_510 {strides = array<i32>} : memref<16xi32, #tpu.memory_space<vmem>>, vector<16xi32>,
    %mul3A_512 = arith.constant 16 : i32
    %mul3A_513 = arith.muli %add3A, %mul3A_512 : i32
    "tpu.region"() ({
      %run_scoped3A = tpu.sem_alloc : memref<!tpu.dma_semaphore, #tpu.memory_space<semaphore_mem>>
      %dma_start3A_514 = arith.constant 0 : i32
      %dma_start3A_515 = tpu.memref_slice %arg6[%dma_start3A_514] : memref<16xi32, #tpu.memory_space<vmem>> -> memref<16xi32, #tpu.memory_space<vmem>>
      %dma_start3A_516 = tpu.memref_slice %arg3[%mul3A_513] : memref<512xi32, #tpu.memory_space<hbm>> -> memref<16xi32, #tpu.memory_space<hbm>>
      %dma_start3A_517 = tpu.memref_slice %arg3[%mul3A_513] : memref<512xi32, #tpu.memory_space<hbm>> -> memref<16xi32, #tpu.memory_space<hbm>>
      %dma_start3A_518 = arith.constant 0 : i32
      %dma_start3A_519 = tpu.memref_slice %arg6[%dma_start3A_518] : memref<16xi32, #tpu.memory_space<vmem>> -> memref<16xi32, #tpu.memory_space<vmem>>
      tpu.enqueue_dma source(%dma_start3A_519 : memref<16xi32, #tpu.memory_space<vmem>>) target(%dma_start3A_517 : memref<16xi32, #tpu.memory_space<hbm>>) target_semaphore(%run_scoped3A : memref<!tpu.dma_semaphore, #tpu.memory_space<semaphore_mem>>)
      %dma_wait3A_520 = arith.constant 0 : i32
      %dma_wait3A_521 = tpu.memref_slice %arg6[%dma_wait3A_520] : memref<16xi32, #tpu.memory_space<vmem>> -> memref<16xi32, #tpu.memory_space<vmem>>
      %dma_wait3A_522 = tpu.memref_slice %arg3[%mul3A_513] : memref<512xi32, #tpu.memory_space<hbm>> -> memref<16xi32, #tpu.memory_space<hbm>>
      %dma_wait3A_523 = tpu.memref_slice %arg3[%mul3A_513] : memref<512xi32, #tpu.memory_space<hbm>> -> memref<16xi32, #tpu.memory_space<hbm>>
      %dma_wait3A_524 = arith.constant 0 : i32
      %dma_wait3A_525 = tpu.memref_slice %arg6[%dma_wait3A_524] : memref<16xi32, #tpu.memory_space<vmem>> -> memref<16xi32, #tpu.memory_space<vmem>>
      tpu.wait_dma2 semaphore(%run_scoped3A : memref<!tpu.dma_semaphore, #tpu.memory_space<semaphore_mem>>) src(%dma_wait3A_525 : memref<16xi32, #tpu.memory_space<vmem>>) dst(%dma_wait3A_523 : memref<16xi32, #tpu.memory_space<hbm>>)
      tpu.yield
    }) : () -> ()
    return
  }
}

module attributes {stable_mosaic.version = 14 : i64} {
  func.func @_tc_body(%arg0: i32, %arg1: memref<256x4096xf32, #tpu.memory_space<vmem>>, %arg2: memref<1x1x256xi32, #tpu.memory_space<vmem>>) attributes {dimension_semantics = [#tpu.dimension_semantics<arbitrary>], iteration_bounds = array<i64: 6>, scalar_prefetch = 0 : i64, scratch_operands = 0 : i64, tpu.core_type = #tpu.core_type<tc>, window_params = [{transform_indices = @transform_0, window_bounds = array<i64: 256, 4096>}, {transform_indices = @transform_1, window_bounds = array<i64: 1, 1, 256>}]} {
    %get3A = arith.constant 0 : index
    %get3A_0 = arith.constant 0 : index
    %get3A_1 = vector.load %arg1[%get3A, %get3A_0] : memref<256x4096xf32, #tpu.memory_space<vmem>>, vector<256x4096xf32>
    %argmin3A = tpu.reduce_index %get3A_1 {axis = 1 : i32, kind = #tpu.reduction_kind<arg_min>} : vector<256x4096xf32> -> vector<256xi32>
    %swap3A = arith.constant 0 : index
    %swap3A_2 = arith.constant 0 : index
    %swap3A_3 = arith.constant 0 : index
    %swap3A_4 = vector.load %arg2[%swap3A, %swap3A_2, %swap3A_3] : memref<1x1x256xi32, #tpu.memory_space<vmem>>, vector<1x1x256xi32>
    %swap3A_5 = vector.shape_cast %swap3A_4 : vector<1x1x256xi32> to vector<256xi32>
    %swap3A_6 = vector.shape_cast %argmin3A : vector<256xi32> to vector<1x1x256xi32>
    tpu.vector_store %arg2[%swap3A, %swap3A_2, %swap3A_3], %swap3A_6 {strides = array<i32>} : memref<1x1x256xi32, #tpu.memory_space<vmem>>, vector<1x1x256xi32>,
    return
  }
  func.func @transform_0(%arg0: i32) -> (i32, i32) {
    %c0_i32 = arith.constant 0 : i32
    %c0_i32_0 = arith.constant 0 : i32
    return %arg0, %c0_i32 : i32, i32
  }
  func.func @transform_1(%arg0: i32) -> (i32, i32, i32) {
    %c0_i32 = arith.constant 0 : i32
    %c0_i32_0 = arith.constant 0 : i32
    %c0_i32_1 = arith.constant 0 : i32
    return %arg0, %c0_i32, %c0_i32_0 : i32, i32, i32
  }
}

</mosaic_0001>

<sc_bundles>
// kernel: kernel.4.cloned.1.call-start
scs
__scs_entry_jumppad:
0x0: {  	(pc) =	sbr.rel $0x88, $3  }
0x1: {  	(tag) =	ssettag $0x0;
	lr =	simm.s32 $0x1  }
0x2: {  	[smem:$0x3FA0] =	sst lr;
	_ =	strace $0xD0000000  }
0x3: {  	_ = 	snop  }
0x4: {  	_ = 	snop  }
0x5: {  	_ = 	snop  }
0x6: {  	_ = 	snop  }
0x7: {  	_ = 	snop  }
__scs_overlays_trampoline_lowered:
0x8: {  	[smem:$0x3FAF] =	sst s0  }
0x9: {  	[smem:$0x3FB0] =	sst s1  }
0xa: {  	[smem:$0x3FB1] =	sst s2  }
0xb: {  	[smem:$0x3FB2] =	sst s3  }
0xc: {  	[smem:$0x3FB3] =	sst s4  }
0xd: {  	[smem:$0x3FB4] =	sst s5  }
0xe: {  	[smem:$0x3FB5] =	sst s6  }
0xf: {  	[smem:$0x3FB6] =	sst s7  }
0x10: {  	[smem:$0x3FB7] =	sst s8  }
0x11: {  	[smem:$0x3FB8] =	sst s9;
	s0 =	simm.s32 @!p0 $0x0  }
0x12: {  	s1 =	sld [smem:$0x3F9E];
	s0 =	simm.s32 @p0 $0x1  }
0x13: {  	[smem:$0x3FB9] =	sst s0;
	s0 =	simm.s32 @!p1 $0x0  }
0x14: {  	s2 =	sld [smem:$0x3F9D];
	s0 =	simm.s32 @p1 $0x1  }
0x15: {  	[smem:$0x3FBA] =	sst s0;
	s0 =	simm.s32 @!p2 $0x0  }
0x16: {  	s3 =	sld [smem:$0x3FDB];
	s0 =	simm.s32 @p2 $0x1  }
0x17: {  	s4 =	simm.s32 $0x1BF5;
	[smem:$0x3FBC] =	sst s0  }
0x18: {  	s0 =	sld [smem:$0x3F9F];
	_ =	swait.ge [sflag:s4], $0x0  }
0x19: {  	s7 =	sld [smem:$0x3FA0]  }
0x1a: {  	s8 =	sadd.s32 $0xFFFFE003, lr  }
0x1b: {  	s9 =	sadd.s32 $0xFFFFFEF7, lr;
	s5 =	simm.s32 $0xFFFFFFFF;
	p2 =	slt.u32 s8, $0xFFFFF086  }
0x1c: {  	p1 =	slt.u32 s9, $0xF7A;
	s5 =	simm.s32 @!p2 $0x0  }
0x1d: {  	s5 =	simm.s32 @p1 $0x1;
	p0 =	seq.s32 s7, s2  }
0x1e: {  	s7 =	smul.u32 @!p0 $0xF7A, s2;
	p2 =	seq.s32 @!p0 s5, $0x0  }
0x1f: {  	s9 =	smul.u32 $0xF7A, s1;
	s8 =	simm.s32 @!p0 $0x1BF5;
	p2 =	por !p2, p0  }
0x20: {  	[sflag:s8] =	ssyncset.s32 @!p0 $0xFFFFF086;
	s6 =	sadd.s32 @!p0 s3, s7;
	s7 =	simm.s32 @!p0 $0x108  }
0x21: {  	s3 =	sadd.s32 s3, s9;
	s6 =	sadd.s32 @!p0 $0x88, s6;
	s7 =	simm.s32 @p2 $0x1082  }
0x22: {  	[simem:s7], [sflag:s8] =	dma.local @!p0 [hbm:s6], $0xF7A  }
0x23: {  	s9 =	sor.u32 $0xD0000000, s2;
	s6 =	simm.s32 $0x108;
	_ =	swait.ge @!p0 [sflag:s8], $0x0  }
0x24: {  	s3 =	sadd.s32 $0x88, s3;
	s6 =	simm.s32 @!p1 $0x1082;
	[sflag:s4] =	ssyncset.s32 $0xFFFFF086  }
0x25: {  	[simem:s6], [sflag:s4] =	dma.local [hbm:s3], $0xF7A  }
0x26: {  	[smem:$0x3FA0] =	sst s1;
	(tag) =	ssettag s2;
	_ =	strace s9  }
0x27: {  	s1 =	sld [smem:$0x3FB0]  }
0x28: {  	s2 =	sld [smem:$0x3FB1]  }
0x29: {  	s4 =	sld [smem:$0x3FB3]  }
0x2a: {  	p0 =	seq.s32 s5, $0x0;
	s5 =	sld [smem:$0x3FB4]  }
0x2b: {  	s6 =	sld [smem:$0x3FB5]  }
0x2c: {  	s7 =	sld [smem:$0x3FB6]  }
0x2d: {  	s3 =	simm.s32 $0x108;
	s8 =	sld [smem:$0x3FB7]  }
0x2e: {  	s3 =	simm.s32 @!p0 $0x1082;
	s9 =	sld [smem:$0x3FB8]  }
0x2f: {  	lr =	sadd.s32 s0, s3;
	s0 =	sld [smem:$0x3FAF]  }
0x30: {  	s3 =	sld [smem:$0x3FB2]  }
0x31: {  	[smem:$0x3FBB] =	sst s10  }
0x32: {  	s10 =	sld [smem:$0x3FB9];
	_ =	sdelay $0x3  }
0x33: {  	p0 =	seq.s32 s10, $0x1;
	s10 =	sld [smem:$0x3FBB];
	_ =	sdelay $0x3  }
0x34: {  	[smem:$0x3FBB] =	sst s10  }
0x35: {  	s10 =	sld [smem:$0x3FBA];
	_ =	sdelay $0x3  }
0x36: {  	p1 =	seq.s32 s10, $0x1;
	s10 =	sld [smem:$0x3FBB];
	_ =	sdelay $0x3  }
0x37: {  	[smem:$0x3FBB] =	sst s10  }
0x38: {  	s10 =	sld [smem:$0x3FBC]  }
0x39: {  	_ = 	snop;
	(pc) =	sbr.ind lr, $3  }
0x3a: {  	_ = 	snop  }
0x3b: {  	_ = 	snop  }
0x3c: {  	p2 =	seq.s32 s10, $0x1;
	s10 =	sld [smem:$0x3FBB]  }
0x3d: {  	_ =	shalt  }
0x3e: {  	_ =	shalt  }
0x3f: {  	_ =	shalt  }
0x40: {  	_ =	shalt  }
0x41: {  	_ =	shalt  }
0x42: {  	_ =	shalt  }
0x43: {  	_ =	shalt  }
0x44: {  	_ =	shalt  }
0x45: {  	_ =	shalt  }
0x46: {  	_ =	shalt  }
0x47: {  	_ =	shalt  }
0x48: {  	_ =	shalt  }
0x49: {  	_ =	shalt  }
0x4a: {  	_ =	shalt  }
0x4b: {  	_ =	shalt  }
0x4c: {  	_ =	shalt  }
0x4d: {  	_ =	shalt  }
0x4e: {  	_ =	shalt  }
0x4f: {  	_ =	shalt  }
0x50: {  	_ =	shalt  }
0x51: {  	_ =	shalt  }
0x52: {  	_ =	shalt  }
0x53: {  	_ =	shalt  }
0x54: {  	_ =	shalt  }
0x55: {  	_ =	shalt  }
0x56: {  	_ =	shalt  }
0x57: {  	_ =	shalt  }
0x58: {  	_ =	shalt  }
0x59: {  	_ =	shalt  }
0x5a: {  	_ =	shalt  }
0x5b: {  	_ =	shalt  }
0x5c: {  	_ =	shalt  }
0x5d: {  	_ =	shalt  }
0x5e: {  	_ =	shalt  }
0x5f: {  	_ =	shalt  }
0x60: {  	_ =	shalt  }
0x61: {  	_ =	shalt  }
0x62: {  	_ =	shalt  }
0x63: {  	_ =	shalt  }
0x64: {  	_ =	shalt  }
0x65: {  	_ =	shalt  }
0x66: {  	_ =	shalt  }
0x67: {  	_ =	shalt  }
0x68: {  	_ =	shalt  }
0x69: {  	_ =	shalt  }
0x6a: {  	_ =	shalt  }
0x6b: {  	_ =	shalt  }
0x6c: {  	_ =	shalt  }
0x6d: {  	_ =	shalt  }
0x6e: {  	_ =	shalt  }
0x6f: {  	_ =	shalt  }
0x70: {  	_ =	shalt  }
0x71: {  	_ =	shalt  }
0x72: {  	_ =	shalt  }
0x73: {  	_ =	shalt  }
0x74: {  	_ =	shalt  }
0x75: {  	_ =	shalt  }
0x76: {  	_ =	shalt  }
0x77: {  	_ =	shalt  }
0x78: {  	_ =	shalt  }
0x79: {  	_ =	shalt  }
0x7a: {  	_ =	shalt  }
0x7b: {  	_ =	shalt  }
0x7c: {  	_ =	shalt  }
0x7d: {  	_ =	shalt  }
0x7e: {  	_ =	shalt  }
0x7f: {  	_ =	shalt  }
0x80: {  	_ =	shalt  }
0x81: {  	_ =	shalt  }
0x82: {  	_ =	shalt  }
0x83: {  	_ =	shalt  }
0x84: {  	_ =	shalt  }
0x85: {  	_ =	shalt  }
0x86: {  	_ =	shalt  }
0x87: {  	_ =	shalt  }
.Lfunc_end0:
.L_simem_size_0:
called_computation_lowered:
.L_overlay_start_0:
0x88: {  	s2 =	sld [smem:$0x3FD9]  }
0x89: {  	s3 =	sld [smem:$0x3FFE];
	_ =	sdelay $0x1  }
0x8a: {  	s1 =	srdreg.scid  }
0x8b: {  	s0 =	sand.u32 $0x1, s1  }
0x8c: {  	s18 =	sshll.u32 s0, $0xA;
	s2 =	sadd.s32 s3, s2  }
0x8d: {  	s2 =	sadd.s32 s2, s18  }
0x8e: {  	[smem:$0x3FC7] =	sst s2  }
0x8f: {  	_ = 	snop  }
0x90: {  	s2 =	sld [smem:$0x3FC9]  }
0x91: {  	s19 =	sld [smem:$0x3FD0];
	(tm) =	ssettm $0x1  }
0x92: {  	s4 =	sld [smem:$0x3FFB];
	_ =	sdelay $0x3  }
0x93: {  	_ =	strace s4  }
0x94: {  	s4 =	sld [smem:$0x3FFC];
	_ =	sdelay $0x3  }
0x95: {  	_ =	strace s4  }
0x96: {  	s4 =	sld [smem:$0x3FFD];
	_ =	sdelay $0x3  }
0x97: {  	_ =	strace s4  }
0x98: {  	_ =	strace $0x8FFFFFFF  }
0x99: {  	s20 =	sld [smem:$0x3FDB];
	_ =	sdelay $0x1  }
0x9a: {  	s5 =	simm.s32 $_scs_section_size  }
0x9b: {  	s6 =	simm.s32 $_size__tile_overlayer_lowered;
	s7 =	simm.s32 $_tile_overlayer_lowered  }
0x9c: {  	s23 =	simm.s32 $0x1BFF;
	s22 =	sshll.u32 s7, $0x1;
	s4 =	sadd.s32 s5, s20  }
0x9d: {  	s8 =	simm.s32 $0x0;
	s21 =	sshll.u32 s6, $0x1;
	s6 =	sadd.s32 s22, s4  }
0x9e: {  	[timem:s8], [sflag:s23] =	dma.local [hbm:s6], s21  }
0x9f: {  	_ =	swait.ge [sflag:s23], s21  }
0xa0: {  	s5 =	ssub.s32 $0x0, s21;
	[sflag:s23] =	ssyncset.done $0x0  }
0xa1: {  	[sflag:s23] =	ssyncadd.s32 s5;
	_ =	sdelay $0x1  }
0xa2: {  	s24 =	simm.s32 $0x1B8B  }
0xa3: {  	_ =	swait.ge [sflag:s24], $0x1  }
0xa4: {  	[sflag:s24] =	ssyncset.done $0x0  }
0xa5: {  	s25 =	simm.s32 $0x1B8E;
	[sflag:s24] =	ssyncadd.s32 $0xFFFFFFFF  }
0xa6: {  	s26 =	simm.s32 $execute0_lowered;
	[smem:$0x3FD2] =	sst s25  }
0xa7: {  	s5 =	sshll.u32 s26, $0x1;
	_ =	strace $0x80000046;
	[dreg:$0x1] =	wrdreg $0xFFFFFFFF  }
0xa8: {  	s28 =	simm.s32 $_size_execute0_lowered;
	s4 =	sadd.s32 s4, s5;
	[dreg:$0x0] =	wrdreg $0x0  }
0xa9: {  	s5 =	sshll.u32 s28, $0x1;
	[dreg:$0x2] =	wrdreg s4  }
0xaa: {  	[dreg:$0x3] =	wrdreg s5  }
0xab: {  	[dreg:$0x4] =	wrdreg $0xC0  }
0xac: {  	_ =	task [dreg:s8], $0x5FFFF  }
0xad: {  	[dreg:$0x1] =	wrdreg $0xFFFFFFFF  }
0xae: {  	[dreg:$0x0] =	wrdreg $0x60  }
0xaf: {  	[dreg:$0x2] =	wrdreg s2  }
0xb0: {  	[dreg:$0x3] =	wrdreg s19  }
0xb1: {  	[dreg:$0x4] =	wrdreg $0x9  }
0xb2: {  	_ =	task.clear_ibuf [dreg:s8], $0x5FFFF;
	_ =	strace $0x90000046  }
0xb3: {  	s29 =	simm.s32 $0x9;
	_ =	strace $0x80000048  }
0xb4: {  	_ =	swait.ge [sflag:s29], $0x1  }
0xb5: {  	[sflag:s29] =	ssyncadd.s32 $0xFFFFFFFF  }
0xb6: {  	_ =	strace $0x90000048  }
0xb7: {  	_ =	sfence  }
0xb8: {  	s30 =	sld [smem:$0x0];
	_ =	sdelay $0x2  }
0xb9: {  	s31 =	sshll.u32 s1, $0xD;
	s1 =	sshrl.u32 s1, $0x2  }
0xba: {  	s3 =	sand.u32 $0x4000, s31;
	s1 =	sadd.s32 s1, s30  }
0xbb: {  	s0 =	sor.u32 s3, s0;
	s1 =	sshll.u32 s1, $0x11  }
0xbc: {  	s0 =	sor.u32 s1, s0  }
0xbd: {  	s0 =	sadd.s32 $0x8F2B, s0  }
0xbe: {  	[sflag:s0] =	ssyncadd.remote.s32 $0x1  }
0xbf: {  	_ =	sfence.sel $0xFFFF  }
0xc0: {  	[dreg:$0x0] =	wrdreg $0xFFFFFFFF;
	(pc) =	sbr.abs _section_cstart, $3  }
0xc1: {  	[dreg:$0x1] =	wrdreg $0xFFFFFFFF  }
0xc2: {  	_ =	task.clear_ibuf [dreg:s8], $0x2FFFF;
	_ =	strace $0x9FFFFFFF  }
0xc3: {  	(tm) =	ssettm $0x7FFFFFFF  }
tec
execute0_lowered:
.L_overlay_start_1:
0x0: {  	(tag) =	ssettag $0x1  }
0x1: {  	s1 =	srdreg.scid;
	s3 =	rddreg [dreg:$0x0]  }
0x2: {  	s0 =	stileid.u32;
	s5 =	rddreg [dreg:$0x1]  }
0x3: {  	s2 =	simm.s32 $0x0;
	s9 =	simm.s32 $0x2;
	s10 =	simm.s32 $0x10000  }
0x4: {  	s11 =	simm.s32 $0x3;
	s12 =	simm.s32 $0x0;
	s4 =	sand.u32 $0x1, s1  }
0x5: {  	s6 =	sshll.u32 s0, $0x5;
	s1 =	rddreg [dreg:$0x2];
	s7 =	sshll.u32 s4, $0x4  }
0x6: {  	[smem:$0x7FF] =	sst s2;
	s4 =	ssub.s32 $0x2, s4;
	s6 =	sor.u32 s7, s6  }
0x7: {  	_ =	strace $0x80000047;
	s8 =	sshrl.u32 s4, $0x1;
	s7 =	sshll.u32 s6, $0x9  }
0x8: {  	s8 =	ssub.s32 s4, s8;
	s6 =	sshrl.u32 s6, $0x3;
	s7 =	sadd.s32 s7, s3  }
0x9: {  	v0 =	vlaneseq.u32;
	s5 =	sadd.s32 s5, s6;
	s6 =	smax.u32 s8, $0x1;
	s8 =	simm.s32 $0x1  }
0xa: {  	v0 =	vor.u32 $0x80000000, v0;
	s3 =	sadd.s32 $0xC0000, s7;
	s4 =	sadd.s32 $0xC1000, s7;
	s7 =	simm.s32 $0x8000  }
.LBB2_1:
0xb: {  	[tilespmem:s2], [sflag:$0x1] =	stream.linear.gather [hbm4b:s3+s2], $0x8000, $0x38;
	[tilespmem:$0x10010] =	vst v63  }
0xc: {  	_ = 	snop  }
0xd: {  	[tilespmem:s7], [sflag:$0x2] =	stream.linear.gather [hbm4b:s4+s2], $0x8000, $0x38;
	[tilespmem:$0x10010] =	vst v63  }
0xe: {  	_ =	swait.ge [sflag:s8], $0x8000  }
0xf: {  	s13 =	sand.u32 $0x7C00, s2;
	s14 =	sand.u32 $0x40, s2;
	[sflag:s8] =	ssyncset.done $0x0  }
0x10: {  	s13 =	sor.u32 s14, s13;
	[sflag:s8] =	ssyncadd.s32 $0xFFFF8000  }
0x11: {  	v1 =	vld [tilespmem:s13+$0x30]  }
0x12: {  	v2 =	vld [tilespmem:s13+$0xB0]  }
0x13: {  	v7 =	vld [tilespmem:s13+$0x130]  }
0x14: {  	v8 =	vld [tilespmem:s13+$0x1B0]  }
0x15: {  	v3 =	vld [tilespmem:s13+$0x0]  }
0x16: {  	v13 =	vld [tilespmem:s13+$0x80]  }
0x17: {  	v19 =	vld [tilespmem:s13+$0x100]  }
0x18: {  	v22 =	vld [tilespmem:s13+$0x180]  }
0x19: {  	v9 =	vld [tilespmem:s13+$0x230]  }
0x1a: {  	v6 =	vimm.s32 $0x0;
	v14 =	vld [tilespmem:s13+$0x10]  }
0x1b: {  	v12 =	vimm.f32 $+Inf;
	v4 =	vor.u32 $0x2, v6;
	v15 =	vld [tilespmem:s13+$0x90]  }
0x1c: {  	v5 =	vor.u32 $0x3, v6;
	v10 =	vor.u32 $0x1, v6;
	v16 =	vld [tilespmem:s13+$0x20];
	vm0 =	vlt.f32 v3, v12  }
0x1d: {  	v17 =	vld [tilespmem:s13+$0xA0];
	vm1 =	vlt.f32 v13, v12;
	vm9 =	vlt.f32 v19, v12;
	vm8 =	vlt.f32 v22, v12  }
0x1e: {  	v11 =	vld [tilespmem:s13+$0x2B0];
	v3 =	vsel vm0, v3, v12;
	v13 =	vsel vm1, v13, v12;
	v18 =	vsel vm1, v6, v6  }
0x1f: {  	v21 =	vld [tilespmem:s13+$0x120];
	v20 =	vsel vm0, v6, v6;
	v32 =	vsel vm9, v19, v12;
	v25 =	vsel vm8, v22, v12  }
0x20: {  	v23 =	vld [tilespmem:s13+$0x1A0];
	v22 =	vimm.f32 $+Inf;
	vm1 =	vlt.f32 v14, v3;
	vm2 =	vlt.f32 v15, v13  }
0x21: {  	v24 =	vld [tilespmem:s13+$0x110];
	v19 =	vimm.s32 $0x0;
	v3 =	vsel vm1, v14, v3;
	v13 =	vsel vm2, v15, v13  }
0x22: {  	v14 =	vld [tilespmem:s13+$0x200];
	v15 =	vsel vm2, v10, v18;
	v18 =	vsel vm1, v10, v20;
	vm0 =	vlt.f32 v16, v3  }
0x23: {  	v29 =	vld [tilespmem:s13+$0x190];
	v20 =	vimm.s32 $0x0;
	vm2 =	vlt.f32 v17, v13;
	v3 =	vsel vm0, v16, v3  }
0x24: {  	v30 =	vld [tilespmem:s13+$0x210];
	v13 =	vsel vm2, v17, v13;
	v15 =	vsel vm2, v4, v15;
	v16 =	vsel vm0, v4, v18  }
0x25: {  	v28 =	vld [tilespmem:s13+$0x220];
	v18 =	vimm.f32 $+Inf;
	vm3 =	vlt.f32 v1, v3;
	vm1 =	vlt.f32 v2, v13  }
0x26: {  	v31 =	vld [tilespmem:s13+$0x2A0];
	v17 =	vimm.s32 $0x0;
	v3 =	vsel vm3, v1, v3;
	v1 =	vsel vm1, v2, v13  }
0x27: {  	v33 =	vld [tilespmem:s13+$0x290];
	v2 =	vsel vm1, v5, v15;
	v15 =	vimm.s32 $0x0;
	vm10 =	vlt.f32 v14, v12  }
0x28: {  	s15 =	simm.s32 $0x0;
	s14 =	simm.s32 $0x40;
	v34 =	vld [tilespmem:s13+$0x280];
	v13 =	vimm.s32 $0x0;
	v26 =	vsel vm10, v14, v12;
	v14 =	vimm.s32 $0x0  }
.LBB2_2:
0x29: {  	v27 =	vimm.s32 $0x0  }
0x2a: {  	v27 =	vsel vm3, $0xFFFFFFFF, v27  }
0x2b: {  	[tilespmem:$0x1FFF0] =	vst v27;
	v27 =	vimm.s32 $0x0;
	vm0 =	vlt.f32 v24, v32  }
0x2c: {  	v27 =	vsel vm0, $0xFFFFFFFF, v27  }
0x2d: {  	vm5 =	vlt.f32 v29, v25;
	vm6 =	vlt.f32 v30, v26;
	[tilespmem:$0x1FF70] =	vst v27;
	v27 =	vimm.s32 $0x0  }
0x2e: {  	v35 =	vld [tilespmem:s13+$0x300];
	vm12 =	vlt.f32 v34, v12;
	v24 =	vsel vm0, v24, v32;
	v27 =	vsel vm5, $0xFFFFFFFF, v27  }
0x2f: {  	v25 =	vsel vm5, v29, v25;
	v26 =	vsel vm6, v30, v26;
	[tilespmem:$0x1FF80] =	vst v27;
	v27 =	vimm.s32 $0x0  }
0x30: {  	v36 =	vld [tilespmem:s13+$0x380];
	vm0 =	vlt.f32 v21, v24;
	vm5 =	vlt.f32 v23, v25;
	v27 =	vsel vm6, $0xFFFFFFFF, v27  }
0x31: {  	v21 =	vsel vm0, v21, v24;
	v23 =	vsel vm5, v23, v25;
	[tilespmem:$0x1FF90] =	vst v27;
	v27 =	vimm.s32 $0x0  }
0x32: {  	v25 =	vimm.s32 $0x0;
	v27 =	vsel vm0, $0xFFFFFFFF, v27;
	vm0 =	vlt.f32 v7, v21  }
0x33: {  	vm13 =	vlt.f32 v35, v22;
	[tilespmem:$0x1FFA0] =	vst v27;
	v27 =	vimm.s32 $0x0;
	v25 =	vsel vm0, $0xFFFFFFFF, v25  }
0x34: {  	v30 =	vld [tilespmem:s13+$0x390];
	v27 =	vsel vm5, $0xFFFFFFFF, v27;
	[tilespmem:$0x1FFD0] =	vst v25;
	vm5 =	vlt.f32 v8, v23;
	v25 =	vimm.s32 $0x0  }
0x35: {  	vm14 =	vlt.f32 v36, v18;
	vm6 =	vlt.f32 v28, v26;
	v25 =	vsel vm5, $0xFFFFFFFF, v25  }
0x36: {  	v58 =	vld [tilespmem:s13+$0x3A0];
	v24 =	vsel vm6, v28, v26;
	[tilespmem:$0x1FFE0] =	vst v25;
	v25 =	vsel vm0, v7, v21;
	v7 =	vsel vm12, v34, v12  }
0x37: {  	v29 =	vld [tilespmem:s13+$0x310];
	vm11 =	vlt.f32 v9, v24;
	[tilespmem:$0x1FFB0] =	vst v27;
	v27 =	vimm.s32 $0x0;
	vm15 =	vlt.f32 v33, v7  }
0x38: {  	v26 =	vsel vm5, v8, v23;
	v12 =	vsel vm14, v36, v18;
	v7 =	vsel vm15, v33, v7  }
0x39: {  	v28 =	vld [tilespmem:s13+$0x320];
	v8 =	vsel vm13, v35, v22;
	vm7 =	vlt.f32 v30, v12;
	vm2 =	vlt.f32 v31, v7  }
0x3a: {  	v27 =	vsel vm6, $0xFFFFFFFF, v27;
	v12 =	vsel vm7, v30, v12;
	v21 =	vsel vm2, v31, v7  }
0x3b: {  	[tilespmem:$0x1FFC0] =	vst v27;
	v27 =	vsel vm11, v9, v24;
	v9 =	vld [tilespmem:s13+$0x330];
	vm4 =	vlt.f32 v58, v12;
	vm5 =	vlt.f32 v11, v21  }
0x3c: {  	vm6 =	vlt.f32 v29, v8;
	v23 =	vsel vm4, v58, v12;
	v12 =	vsel vm5, v11, v21;
	v21 =	vld [tilespmem:$0x1FF70]  }
0x3d: {  	v8 =	vsel vm6, v29, v8  }
0x3e: {  	v15 =	vsel vm13, v6, v15;
	vm3 =	vlt.f32 v28, v8  }
0x3f: {  	v15 =	vsel vm6, v10, v15;
	v22 =	vsel vm3, v28, v8  }
0x40: {  	v15 =	vsel vm3, v4, v15;
	vm0 =	vlt.f32 v9, v22  }
0x41: {  	v22 =	vsel vm0, v9, v22;
	v15 =	vsel vm0, v5, v15;
	vm0 =	vnez.u8 v21;
	v21 =	vld [tilespmem:$0x1FF80];
	_ =	sdelay $0x3  }
0x42: {  	v20 =	vsel vm9, v6, v20  }
0x43: {  	v20 =	vsel vm0, v10, v20;
	vm0 =	vnez.u8 v21;
	v21 =	vld [tilespmem:$0x1FF90];
	_ =	sdelay $0x3  }
0x44: {  	v19 =	vsel vm8, v6, v19;
	v14 =	vsel vm10, v6, v14;
	v17 =	vsel vm12, v6, v17  }
0x45: {  	v13 =	vsel vm14, v6, v13;
	v19 =	vsel vm0, v10, v19;
	vm0 =	vnez.u8 v21  }
0x46: {  	v17 =	vsel vm15, v10, v17;
	v13 =	vsel vm7, v10, v13;
	v10 =	vsel vm0, v10, v14;
	v14 =	vld [tilespmem:$0x1FFA0];
	_ =	sdelay $0x4  }
0x47: {  	vm0 =	vnez.u8 v14  }
0x48: {  	s15 =	sadd.s32 $0x200, s15;
	v14 =	vsel vm0, v4, v20;
	v20 =	vld [tilespmem:$0x1FFB0]  }
0x49: {  	s16 =	sand.u32 $0x40, s14;
	s31 =	sand.u32 $0x7C00, s15  }
0x4a: {  	v18 =	vld [tilespmem:s13+$0x3B0];
	s13 =	sor.u32 s16, s31  }
0x4b: {  	v59 =	vld [tilespmem:s13+$0x30]  }
0x4c: {  	v60 =	vld [tilespmem:s13+$0xB0]  }
0x4d: {  	vm0 =	vnez.u8 v20;
	v20 =	vld [tilespmem:$0x1FFC0]  }
0x4e: {  	v29 =	vld [tilespmem:s13+$0x0]  }
0x4f: {  	v30 =	vld [tilespmem:s13+$0x80]  }
0x50: {  	v61 =	vld [tilespmem:s13+$0x10]  }
0x51: {  	v62 =	vld [tilespmem:s13+$0x90]  }
0x52: {  	v24 =	vld [tilespmem:s13+$0x110];
	v19 =	vsel vm0, v4, v19;
	vm0 =	vnez.u8 v20  }
0x53: {  	v17 =	vsel vm2, v4, v17;
	v13 =	vsel vm4, v4, v13;
	v4 =	vsel vm0, v4, v10;
	v10 =	vld [tilespmem:$0x1FFD0]  }
0x54: {  	v63 =	vld [tilespmem:s13+$0x100]  }
0x55: {  	v37 =	vld [tilespmem:s13+$0x180]  }
0x56: {  	v38 =	vld [tilespmem:s13+$0x200]  }
0x57: {  	v33 =	vld [tilespmem:s13+$0x290]  }
0x58: {  	v6 =	vadd.s32 $0x4, v6;
	vm0 =	vnez.u8 v10;
	v10 =	vld [tilespmem:$0x1FFE0]  }
0x59: {  	vm1 =	vlt.f32 v18, v23;
	v20 =	vsel vm0, v5, v14;
	v14 =	vsel vm11, v5, v4;
	v4 =	vld [tilespmem:$0x1FFF0]  }
0x5a: {  	v34 =	vld [tilespmem:s13+$0x280];
	v18 =	vsel vm1, v18, v23;
	v17 =	vsel vm5, v5, v17;
	v13 =	vsel vm1, v5, v13  }
0x5b: {  	v8 =	vld [tilespmem:s13+$0x1B0];
	vm1 =	vlt.f32 v30, v1;
	vm9 =	vlt.f32 v63, v25;
	vm8 =	vlt.f32 v37, v26  }
0x5c: {  	v28 =	vld [tilespmem:s13+$0x20];
	vm10 =	vlt.f32 v38, v27;
	v1 =	vsel vm1, v30, v1;
	v2 =	vsel vm1, v6, v2  }
0x5d: {  	v31 =	vld [tilespmem:s13+$0xA0];
	v32 =	vsel vm9, v63, v25;
	v25 =	vsel vm8, v37, v26;
	vm0 =	vnez.u8 v10  }
0x5e: {  	v7 =	vld [tilespmem:s13+$0x130];
	v26 =	vsel vm10, v38, v27;
	v19 =	vsel vm0, v5, v19;
	vm0 =	vnez.u8 v4  }
0x5f: {  	v11 =	vld [tilespmem:s13+$0x2B0];
	vm1 =	vlt.f32 v62, v1;
	v16 =	vsel vm0, v5, v16;
	vm0 =	vlt.f32 v29, v3  }
0x60: {  	v23 =	vld [tilespmem:s13+$0x1A0];
	v1 =	vsel vm1, v62, v1;
	v10 =	vor.u32 $0x1, v6;
	v3 =	vsel vm0, v29, v3  }
0x61: {  	p0 =	sne.s32 s14, $0xFC0;
	v9 =	vld [tilespmem:s13+$0x230];
	v4 =	vor.u32 $0x2, v6;
	v16 =	vsel vm0, v6, v16;
	vm0 =	vlt.f32 v61, v3  }
.Ltmp0:
0x62: {  	v30 =	vld [tilespmem:s13+$0x210];
	v2 =	vsel vm1, v10, v2;
	vm1 =	vlt.f32 v31, v1;
	v3 =	vsel vm0, v61, v3;
	(pc) =	sbr.rel @p0 .LBB2_2-.Ltmp0, $4  }
0x63: {  	v21 =	vld [tilespmem:s13+$0x120];
	v5 =	vor.u32 $0x3, v6;
	v16 =	vsel vm0, v10, v16;
	vm0 =	vlt.f32 v28, v3  }
0x64: {  	v1 =	vsel vm1, v31, v1;
	v2 =	vsel vm1, v4, v2;
	v31 =	vld [tilespmem:s13+$0x2A0];
	v3 =	vsel vm0, v28, v3  }
0x65: {  	v29 =	vld [tilespmem:s13+$0x190];
	v16 =	vsel vm0, v4, v16;
	vm0 =	vlt.f32 v60, v1;
	vm3 =	vlt.f32 v59, v3  }
0x66: {  	s14 =	sadd.s32 $0x40, s14;
	v28 =	vld [tilespmem:s13+$0x220];
	v1 =	vsel vm0, v60, v1;
	v2 =	vsel vm0, v5, v2;
	v3 =	vsel vm3, v59, v3  }
0x67: {  	v27 =	vld [tilespmem:s13+$0x300];
	vm0 =	vlt.f32 v34, v12  }
0x68: {  	v35 =	vld [tilespmem:s13+$0x380];
	v20 =	vsel vm9, v6, v20;
	v19 =	vsel vm8, v6, v19;
	v12 =	vsel vm0, v34, v12  }
0x69: {  	vm2 =	vlt.f32 v30, v26;
	v38 =	vsel vm3, v5, v16;
	vm5 =	vlt.f32 v33, v12  }
0x6a: {  	v17 =	vsel vm0, v6, v17;
	v26 =	vsel vm2, v30, v26;
	v12 =	vsel vm5, v33, v12  }
0x6b: {  	v36 =	vld [tilespmem:s13+$0x310];
	v17 =	vsel vm5, v10, v17;
	vm1 =	vlt.f32 v29, v25;
	vm14 =	vlt.f32 v31, v12  }
0x6c: {  	v37 =	vld [tilespmem:s13+$0x390];
	v25 =	vsel vm1, v29, v25;
	v19 =	vsel vm1, v10, v19;
	vm15 =	vlt.f32 v27, v22  }
0x6d: {  	v54 =	vld [tilespmem:s13+$0x320];
	vm4 =	vlt.f32 v35, v18;
	v12 =	vsel vm14, v31, v12;
	v31 =	vsel vm14, v4, v17  }
0x6e: {  	vm14 =	vlt.f32 v24, v32;
	v22 =	vsel vm15, v27, v22;
	v15 =	vsel vm15, v6, v15  }
0x6f: {  	v27 =	vld [tilespmem:s13+$0x3A0];
	v18 =	vsel vm4, v35, v18;
	v13 =	vsel vm4, v6, v13;
	vm5 =	vlt.f32 v11, v12  }
0x70: {  	v55 =	vld [tilespmem:s13+$0x330];
	v6 =	vsel vm10, v6, v14;
	v14 =	vsel vm14, v24, v32;
	vm12 =	vlt.f32 v36, v22  }
0x71: {  	v56 =	vld [tilespmem:s13+$0x3B0];
	s14 =	simm.s32 $0x0;
	_ =	swait.ge [sflag:s9], $0x8000;
	vm13 =	vlt.f32 v37, v18;
	v17 =	vsel vm5, v11, v12;
	v22 =	vsel vm12, v36, v22  }
0x72: {  	s31 =	sand.u32 $0x7C00, s14;
	s15 =	sand.u32 $0x40, s14;
	[sflag:s9] =	ssyncset.done $0x0;
	v6 =	vsel vm2, v10, v6;
	v15 =	vsel vm12, v10, v15;
	vm15 =	vlt.f32 v54, v22  }
0x73: {  	s13 =	sor.u32 s15, s31;
	v18 =	vsel vm13, v37, v18;
	v13 =	vsel vm13, v10, v13;
	[sflag:s9] =	ssyncadd.s32 $0xFFFF8000;
	v22 =	vsel vm15, v54, v22  }
0x74: {  	v24 =	vld [tilespmem:s13+$0x80B0];
	v15 =	vsel vm15, v4, v15;
	vm15 =	vlt.f32 v21, v14;
	vm4 =	vlt.f32 v27, v18  }
0x75: {  	v58 =	vld [tilespmem:s13+$0x8000];
	vm12 =	vlt.f32 v55, v22;
	v27 =	vsel vm4, v27, v18;
	v57 =	vsel vm4, v4, v13  }
0x76: {  	v59 =	vld [tilespmem:s13+$0x8080];
	v18 =	vsel vm5, v5, v31;
	v13 =	vsel vm12, v55, v22;
	v15 =	vsel vm12, v5, v15  }
0x77: {  	v16 =	vld [tilespmem:s13+$0x80A0];
	vm4 =	vlt.f32 v23, v25;
	vm5 =	vlt.f32 v28, v26;
	vm13 =	vlt.f32 v56, v27  }
0x78: {  	v39 =	vld [tilespmem:s13+$0x8120];
	v19 =	vsel vm4, v4, v19;
	v11 =	vsel vm13, v56, v27;
	v12 =	vsel vm13, v5, v57  }
0x79: {  	v61 =	vld [tilespmem:s13+$0x8100];
	v27 =	vsel vm14, v10, v20;
	v10 =	vsel vm15, v21, v14;
	v21 =	vsel vm4, v23, v25  }
0x7a: {  	v41 =	vld [tilespmem:s13+$0x8180];
	v23 =	vsel vm5, v28, v26;
	v26 =	vsel vm15, v4, v27;
	vm12 =	vlt.f32 v7, v10  }
0x7b: {  	v40 =	vld [tilespmem:s13+$0x81A0];
	vm13 =	vlt.f32 v8, v21;
	v4 =	vsel vm5, v4, v6;
	vm14 =	vlt.f32 v9, v23  }
0x7c: {  	v45 =	vld [tilespmem:s13+$0x8110];
	v30 =	vsel vm12, v7, v10;
	v28 =	vsel vm13, v8, v21;
	v25 =	vsel vm14, v9, v23  }
0x7d: {  	v10 =	vld [tilespmem:s13+$0x8010];
	v32 =	vsel vm12, v5, v26;
	v27 =	vsel vm14, v5, v4;
	v4 =	vimm.s32 $0x0  }
0x7e: {  	v9 =	vld [tilespmem:s13+$0x8090];
	v29 =	vsel vm13, v5, v19;
	v19 =	vimm.f32 $+Inf;
	v6 =	vor.u32 $0x2, v4  }
0x7f: {  	v21 =	vld [tilespmem:s13+$0x8020];
	v5 =	vor.u32 $0x3, v4;
	vm15 =	vlt.f32 v58, v19;
	vm4 =	vlt.f32 v59, v19  }
0x80: {  	v46 =	vld [tilespmem:s13+$0x8190];
	v7 =	vor.u32 $0x1, v4;
	vm9 =	vlt.f32 v61, v19;
	vm8 =	vlt.f32 v41, v19  }
0x81: {  	v44 =	vld [tilespmem:s13+$0x8210];
	v23 =	vsel vm15, v58, v19;
	v26 =	vsel vm4, v59, v19;
	v60 =	vsel vm4, v4, v4  }
0x82: {  	v31 =	vld [tilespmem:s13+$0x8030];
	v62 =	vsel vm15, v4, v4;
	v50 =	vsel vm9, v61, v19;
	vm5 =	vlt.f32 v10, v23  }
0x83: {  	v42 =	vld [tilespmem:s13+$0x8220];
	v48 =	vsel vm8, v41, v19;
	vm12 =	vlt.f32 v9, v26;
	v10 =	vsel vm5, v10, v23  }
0x84: {  	v36 =	vld [tilespmem:s13+$0x82A0];
	v9 =	vsel vm12, v9, v26;
	v26 =	vsel vm12, v7, v60;
	vm13 =	vlt.f32 v21, v10  }
0x85: {  	v23 =	vld [tilespmem:s13+$0x8200];
	v63 =	vsel vm5, v7, v62;
	vm14 =	vlt.f32 v16, v9;
	v10 =	vsel vm13, v21, v10  }
0x86: {  	v43 =	vld [tilespmem:s13+$0x8280];
	v9 =	vsel vm14, v16, v9;
	v16 =	vsel vm14, v6, v26;
	v37 =	vsel vm13, v6, v63  }
0x87: {  	v22 =	vld [tilespmem:s13+$0x8130];
	v21 =	vimm.s32 $0x0;
	vm11 =	vlt.f32 v31, v10;
	vm15 =	vlt.f32 v24, v9  }
0x88: {  	v20 =	vld [tilespmem:s13+$0x81B0];
	v26 =	vimm.s32 $0x0;
	v35 =	vsel vm11, v31, v10;
	v33 =	vsel vm15, v24, v9  }
0x89: {  	v14 =	vld [tilespmem:s13+$0x8230];
	v34 =	vsel vm15, v5, v16;
	v16 =	vimm.f32 $+Inf;
	v10 =	vimm.s32 $0x0  }
0x8a: {  	v8 =	vld [tilespmem:s13+$0x82B0];
	v9 =	vimm.s32 $0x0;
	v31 =	vimm.s32 $0x0;
	vm10 =	vlt.f32 v23, v19  }
0x8b: {  	s15 =	simm.s32 $0x40;
	v41 =	vld [tilespmem:s13+$0x8290];
	v24 =	vimm.s32 $0x0;
	v47 =	vsel vm10, v23, v19;
	v23 =	vimm.f32 $+Inf  }
.LBB2_4:
0x8c: {  	v49 =	vimm.s32 $0x0;
	v54 =	vimm.s32 $0x0  }
0x8d: {  	v55 =	vimm.s32 $0x0;
	v56 =	vimm.s32 $0x0;
	v57 =	vimm.s32 $0x0  }
0x8e: {  	v58 =	vimm.s32 $0x0;
	v60 =	vimm.s32 $0x0;
	v61 =	vimm.s32 $0x0  }
0x8f: {  	v51 =	vld [tilespmem:s13+$0x8300];
	v62 =	vimm.s32 $0x0;
	v31 =	vsel vm9, v4, v31;
	v26 =	vsel vm8, v4, v26  }
0x90: {  	v52 =	vld [tilespmem:s13+$0x8380];
	v24 =	vsel vm10, v4, v24;
	vm0 =	vlt.f32 v45, v50;
	vm1 =	vlt.f32 v46, v48  }
0x91: {  	vm6 =	vlt.f32 v44, v47;
	vm12 =	vlt.f32 v43, v19;
	v49 =	vsel vm0, $0xFFFFFFFF, v49  }
0x92: {  	v45 =	vsel vm0, v45, v50;
	v46 =	vsel vm1, v46, v48;
	v44 =	vsel vm6, v44, v47;
	v50 =	vld [tilespmem:s13+$0x8310]  }
0x93: {  	[tilespmem:$0x1FEE0] =	vst v49;
	v49 =	vsel vm1, $0xFFFFFFFF, v54;
	vm0 =	vlt.f32 v39, v45;
	vm1 =	vlt.f32 v40, v46  }
0x94: {  	v59 =	vld [tilespmem:s13+$0x8320];
	vm13 =	vlt.f32 v51, v23;
	v47 =	vsel vm0, $0xFFFFFFFF, v56;
	v40 =	vsel vm1, v40, v46  }
0x95: {  	vm14 =	vlt.f32 v52, v16;
	[tilespmem:$0x1FF10] =	vst v47;
	v47 =	vsel vm1, $0xFFFFFFFF, v57;
	vm1 =	vlt.f32 v20, v40  }
0x96: {  	v19 =	vsel vm12, v43, v19;
	v48 =	vsel vm1, v20, v40;
	v20 =	vsel vm13, v51, v23  }
0x97: {  	v53 =	vld [tilespmem:s13+$0x8390];
	v21 =	vsel vm12, v4, v21;
	[tilespmem:$0x1FEF0] =	vst v49;
	v49 =	vsel vm6, $0xFFFFFFFF, v55;
	vm7 =	vlt.f32 v50, v20  }
0x98: {  	v16 =	vsel vm14, v52, v16;
	vm6 =	vlt.f32 v42, v44;
	[tilespmem:$0x1FF00] =	vst v49;
	v57 =	vld [tilespmem:$0x1FEE0];
	v20 =	vsel vm7, v50, v20  }
0x99: {  	v39 =	vsel vm0, v39, v45;
	[tilespmem:$0x1FF20] =	vst v47;
	v47 =	vsel vm6, $0xFFFFFFFF, v58;
	v58 =	vld [tilespmem:$0x1FEF0];
	vm3 =	vlt.f32 v59, v20  }
0x9a: {  	vm15 =	vlt.f32 v41, v19;
	vm0 =	vlt.f32 v22, v39;
	v23 =	vsel vm3, v59, v20;
	v59 =	vld [tilespmem:$0x1FF00]  }
0x9b: {  	v10 =	vsel vm13, v4, v10;
	v42 =	vsel vm6, v42, v44;
	v45 =	vsel vm0, $0xFFFFFFFF, v60  }
0x9c: {  	v9 =	vsel vm14, v4, v9;
	vm6 =	vlt.f32 v14, v42;
	[tilespmem:$0x1FF40] =	vst v45;
	v45 =	vsel vm1, $0xFFFFFFFF, v61  }
0x9d: {  	v49 =	vsel vm6, v14, v42;
	[tilespmem:$0x1FF50] =	vst v45;
	v45 =	vsel vm6, $0xFFFFFFFF, v62;
	vm6 =	vlt.f32 v53, v16  }
0x9e: {  	v21 =	vsel vm15, v7, v21;
	v10 =	vsel vm7, v7, v10;
	v9 =	vsel vm6, v7, v9  }
0x9f: {  	vm12 =	vnez.u8 v57;
	vm13 =	vnez.u8 v58;
	vm14 =	vnez.u8 v59  }
0xa0: {  	v31 =	vsel vm12, v7, v31;
	v26 =	vsel vm13, v7, v26;
	v7 =	vsel vm14, v7, v24;
	v24 =	vld [tilespmem:$0x1FF10];
	_ =	sdelay $0x4  }
0xa1: {  	v63 =	vld [tilespmem:s13+$0x83A0];
	v19 =	vsel vm15, v41, v19;
	vm15 =	vnez.u8 v24  }
0xa2: {  	s14 =	sadd.s32 $0x200, s14;
	v24 =	vsel vm15, v6, v31;
	v31 =	vld [tilespmem:$0x1FF20]  }
0xa3: {  	s16 =	sand.u32 $0x40, s15;
	s31 =	sand.u32 $0x7C00, s14;
	v54 =	vld [tilespmem:s13+$0x83B0]  }
0xa4: {  	v14 =	vld [tilespmem:s13+$0x8330];
	s13 =	sor.u32 s16, s31  }
0xa5: {  	vm5 =	vlt.f32 v36, v19;
	v41 =	vld [tilespmem:s13+$0x8030];
	v16 =	vsel vm6, v53, v16  }
0xa6: {  	v19 =	vsel vm5, v36, v19;
	[tilespmem:$0x1FF30] =	vst v47;
	v43 =	vld [tilespmem:s13+$0x80B0];
	vm4 =	vlt.f32 v63, v16  }
0xa7: {  	v16 =	vsel vm4, v63, v16;
	v9 =	vsel vm4, v6, v9;
	vm4 =	vnez.u8 v31;
	v31 =	vld [tilespmem:$0x1FF30]  }
0xa8: {  	v47 =	vsel vm0, v22, v39;
	vm0 =	vlt.f32 v8, v19;
	v22 =	vld [tilespmem:s13+$0x8130]  }
0xa9: {  	v19 =	vsel vm0, v8, v19;
	v8 =	vld [tilespmem:s13+$0x82B0]  }
0xaa: {  	v36 =	vld [tilespmem:s13+$0x8020]  }
0xab: {  	v42 =	vld [tilespmem:s13+$0x80A0]  }
0xac: {  	v21 =	vsel vm5, v6, v21;
	v55 =	vld [tilespmem:s13+$0x8000];
	vm5 =	vnez.u8 v31  }
0xad: {  	v10 =	vsel vm3, v6, v10;
	v26 =	vsel vm4, v6, v26;
	v6 =	vsel vm5, v6, v7;
	v7 =	vld [tilespmem:$0x1FF40]  }
0xae: {  	v60 =	vld [tilespmem:s13+$0x8010]  }
0xaf: {  	v62 =	vld [tilespmem:s13+$0x8100]  }
0xb0: {  	v63 =	vld [tilespmem:s13+$0x8180];
	vm2 =	vlt.f32 v54, v16  }
0xb1: {  	v16 =	vsel vm2, v54, v16;
	v54 =	vld [tilespmem:s13+$0x8200]  }
0xb2: {  	v37 =	vsel vm11, v5, v37;
	vm1 =	vlt.f32 v14, v23;
	vm12 =	vnez.u8 v7;
	v7 =	vld [tilespmem:$0x1FF50]  }
0xb3: {  	v4 =	vadd.s32 $0x4, v4;
	v21 =	vsel vm0, v5, v21;
	v56 =	vld [tilespmem:s13+$0x8080];
	v23 =	vsel vm1, v14, v23  }
0xb4: {  	v61 =	vld [tilespmem:s13+$0x8090];
	v10 =	vsel vm1, v5, v10;
	v9 =	vsel vm2, v5, v9;
	vm9 =	vlt.f32 v62, v47  }
0xb5: {  	v39 =	vld [tilespmem:s13+$0x8120];
	v50 =	vsel vm9, v62, v47;
	vm8 =	vlt.f32 v63, v48;
	vm15 =	vlt.f32 v55, v35  }
0xb6: {  	v40 =	vld [tilespmem:s13+$0x81A0];
	[tilespmem:$0x1FF60] =	vst v45;
	v48 =	vsel vm8, v63, v48;
	vm10 =	vlt.f32 v54, v49;
	v35 =	vsel vm15, v55, v35  }
0xb7: {  	v47 =	vsel vm10, v54, v49;
	vm5 =	vlt.f32 v60, v35;
	vm13 =	vnez.u8 v7;
	v7 =	vld [tilespmem:$0x1FF60]  }
0xb8: {  	v46 =	vld [tilespmem:s13+$0x8190];
	v37 =	vsel vm15, v4, v37;
	vm4 =	vlt.f32 v56, v33;
	v35 =	vsel vm5, v60, v35  }
0xb9: {  	v44 =	vld [tilespmem:s13+$0x8210];
	v33 =	vsel vm4, v56, v33;
	v26 =	vsel vm13, v5, v26;
	vm13 =	vlt.f32 v36, v35  }
0xba: {  	v45 =	vld [tilespmem:s13+$0x8110];
	v31 =	vsel vm12, v5, v24;
	vm12 =	vlt.f32 v61, v33;
	v35 =	vsel vm13, v36, v35  }
0xbb: {  	p0 =	sne.s32 s15, $0xFC0;
	v20 =	vld [tilespmem:s13+$0x81B0];
	v34 =	vsel vm4, v4, v34;
	v33 =	vsel vm12, v61, v33;
	vm11 =	vlt.f32 v41, v35  }
.Ltmp1:
0xbc: {  	v14 =	vld [tilespmem:s13+$0x8230];
	v35 =	vsel vm11, v41, v35;
	vm14 =	vnez.u8 v7;
	v7 =	vor.u32 $0x1, v4;
	(pc) =	sbr.rel @p0 .LBB2_4-.Ltmp1, $4  }
0xbd: {  	v36 =	vld [tilespmem:s13+$0x82A0];
	v24 =	vsel vm14, v5, v6;
	v6 =	vor.u32 $0x2, v4;
	vm14 =	vlt.f32 v42, v33  }
0xbe: {  	v41 =	vld [tilespmem:s13+$0x8290];
	v5 =	vor.u32 $0x3, v4;
	v34 =	vsel vm12, v7, v34;
	v33 =	vsel vm14, v42, v33  }
0xbf: {  	v37 =	vsel vm5, v7, v37;
	v34 =	vsel vm14, v6, v34;
	v42 =	vld [tilespmem:s13+$0x8220];
	vm15 =	vlt.f32 v43, v33  }
0xc0: {  	s15 =	sadd.s32 $0x40, s15;
	v37 =	vsel vm13, v6, v37;
	v33 =	vsel vm15, v43, v33;
	v34 =	vsel vm15, v5, v34;
	v43 =	vld [tilespmem:s13+$0x8280]  }
0xc1: {  	(xrf0) =	vmin.scan.msk.f32 $0xffff, v3;
	_ =	sdelay $0x5  }
0xc2: {  	v49, _, _ =	vpop (xrf0)  }
0xc3: {  	v49 =	vbroadcast v49, $0xF  }
0xc4: {  	v38 =	vshll.u32 v38, $0x4  }
0xc5: {  	vm0 =	veq.f32 v3, v49;
	v3 =	vxor.u32 v0, v38  }
0xc6: {  	v3 =	vnsel vm0, $0xFFFFFFFF, v3  }
0xc7: {  	(xrf0) =	vmin.scan.msk.u32 $0xffff, v3  }
0xc8: {  	(xrf0) =	vmin.scan.msk.f32 $0xffff, v1;
	_ =	sdelay $0x4  }
0xc9: {  	v3, _, _ =	vpop (xrf0)  }
0xca: {  	v62, _, _ =	vpop (xrf0)  }
0xcb: {  	v38 =	vbroadcast v62, $0xF  }
0xcc: {  	v2 =	vshll.u32 v2, $0x4  }
0xcd: {  	vm6 =	veq.f32 v1, v38;
	v1 =	vxor.u32 v0, v2  }
0xce: {  	v1 =	vnsel vm6, $0xFFFFFFFF, v1  }
0xcf: {  	(xrf0) =	vmin.scan.msk.u32 $0xffff, v1  }
0xd0: {  	(xrf0) =	vmin.scan.msk.f32 $0xffff, v30;
	_ =	sdelay $0x4  }
0xd1: {  	v1, _, _ =	vpop (xrf0)  }
0xd2: {  	v2, _, _ =	vpop (xrf0)  }
0xd3: {  	v2 =	vbroadcast v2, $0xF  }
0xd4: {  	v32 =	vshll.u32 v32, $0x4  }
0xd5: {  	vm7 =	veq.f32 v30, v2;
	v2 =	vxor.u32 v0, v32  }
0xd6: {  	v2 =	vnsel vm7, $0xFFFFFFFF, v2  }
0xd7: {  	(xrf0) =	vmin.scan.msk.u32 $0xffff, v2  }
0xd8: {  	(xrf0) =	vmin.scan.msk.f32 $0xffff, v28;
	_ =	sdelay $0x4  }
0xd9: {  	v2, _, _ =	vpop (xrf0)  }
0xda: {  	v63, _, _ =	vpop (xrf0)  }
0xdb: {  	v30 =	vbroadcast v63, $0xF  }
0xdc: {  	v29 =	vshll.u32 v29, $0x4  }
0xdd: {  	v38 =	vxor.u32 v0, v29;
	vm12 =	veq.f32 v28, v30  }
0xde: {  	v28 =	vnsel vm12, $0xFFFFFFFF, v38  }
0xdf: {  	(xrf0) =	vmin.scan.msk.u32 $0xffff, v28  }
0xe0: {  	(xrf0) =	vmin.scan.msk.f32 $0xffff, v25;
	_ =	sdelay $0x4  }
0xe1: {  	v28, _, _ =	vpop (xrf0)  }
0xe2: {  	v49, _, _ =	vpop (xrf0)  }
0xe3: {  	v29 =	vbroadcast v49, $0xF  }
0xe4: {  	v27 =	vshll.u32 v27, $0x4  }
0xe5: {  	v51 =	vxor.u32 v0, v27;
	vm13 =	veq.f32 v25, v29  }
0xe6: {  	v25 =	vnsel vm13, $0xFFFFFFFF, v51  }
0xe7: {  	(xrf0) =	vmin.scan.msk.u32 $0xffff, v25  }
0xe8: {  	(xrf0) =	vmin.scan.msk.f32 $0xffff, v17;
	_ =	sdelay $0x4  }
0xe9: {  	v25, _, _ =	vpop (xrf0)  }
0xea: {  	v52, _, _ =	vpop (xrf0)  }
0xeb: {  	v27 =	vbroadcast v52, $0xF  }
0xec: {  	v18 =	vshll.u32 v18, $0x4  }
0xed: {  	v53 =	vxor.u32 v0, v18;
	vm14 =	veq.f32 v17, v27  }
0xee: {  	v17 =	vnsel vm14, $0xFFFFFFFF, v53  }
0xef: {  	(xrf0) =	vmin.scan.msk.u32 $0xffff, v17  }
0xf0: {  	(xrf0) =	vmin.scan.msk.f32 $0xffff, v13;
	_ =	sdelay $0x4  }
0xf1: {  	v17, _, _ =	vpop (xrf0)  }
0xf2: {  	v54, _, _ =	vpop (xrf0)  }
0xf3: {  	v18 =	vbroadcast v54, $0xF  }
0xf4: {  	v15 =	vshll.u32 v15, $0x4  }
0xf5: {  	v55 =	vxor.u32 v0, v15;
	vm15 =	veq.f32 v13, v18  }
0xf6: {  	v13 =	vnsel vm15, $0xFFFFFFFF, v55  }
0xf7: {  	(xrf0) =	vmin.scan.msk.u32 $0xffff, v13  }
0xf8: {  	(xrf0) =	vmin.scan.msk.f32 $0xffff, v11;
	_ =	sdelay $0x4  }
0xf9: {  	v13, _, _ =	vpop (xrf0)  }
0xfa: {  	v56, _, _ =	vpop (xrf0)  }
0xfb: {  	v15 =	vbroadcast v56, $0xF  }
0xfc: {  	v12 =	vshll.u32 v12, $0x4  }
0xfd: {  	v57 =	vxor.u32 v0, v12;
	vm4 =	veq.f32 v11, v15  }
0xfe: {  	v11 =	vnsel vm4, $0xFFFFFFFF, v57  }
0xff: {  	(xrf0) =	vmin.scan.msk.u32 $0xffff, v11  }
0x100: {  	(xrf0) =	vmin.scan.msk.f32 $0xffff, v35;
	_ =	sdelay $0x4  }
0x101: {  	v11, _, _ =	vpop (xrf0)  }
0x102: {  	v58, _, _ =	vpop (xrf0)  }
0x103: {  	v59 =	vsel vm11, v5, v37;
	v12 =	vbroadcast v58, $0xF  }
0x104: {  	v15 =	vshll.u32 v59, $0x4  }
0x105: {  	v60 =	vxor.u32 v0, v15;
	vm5 =	veq.f32 v35, v12  }
0x106: {  	v12 =	vnsel vm5, $0xFFFFFFFF, v60  }
0x107: {  	(xrf0) =	vmin.scan.msk.u32 $0xffff, v12  }
0x108: {  	(xrf0) =	vmin.scan.msk.f32 $0xffff, v33;
	_ =	sdelay $0x4  }
0x109: {  	v12, _, _ =	vpop (xrf0)  }
0x10a: {  	vm6 =	vlt.f32 v45, v50;
	v61, _, _ =	vpop (xrf0)  }
0x10b: {  	v62 =	vsel vm6, v45, v50;
	v15 =	vbroadcast v61, $0xF  }
0x10c: {  	vm1 =	vlt.f32 v39, v62;
	v63 =	vshll.u32 v34, $0x4  }
0x10d: {  	v30 =	vxor.u32 v0, v63;
	v18 =	vsel vm1, v39, v62;
	vm2 =	veq.f32 v33, v15  }
0x10e: {  	vm7 =	vlt.f32 v22, v18;
	v15 =	vnsel vm2, $0xFFFFFFFF, v30  }
0x10f: {  	v18 =	vsel vm7, v22, v18;
	(xrf0) =	vmin.scan.msk.u32 $0xffff, v15  }
0x110: {  	(xrf0) =	vmin.scan.msk.f32 $0xffff, v18;
	_ =	sdelay $0x3  }
0x111: {  	v31 =	vsel vm9, v4, v31  }
0x112: {  	v15 =	vsel vm6, v7, v31;
	v32, _, _ =	vpop (xrf0)  }
0x113: {  	vm11 =	vlt.f32 v46, v48;
	v15 =	vsel vm1, v6, v15;
	v33, _, _ =	vpop (xrf0)  }
0x114: {  	v34 =	vsel vm11, v46, v48;
	v15 =	vsel vm7, v5, v15;
	v27 =	vbroadcast v33, $0xF  }
0x115: {  	vm12 =	vlt.f32 v40, v34;
	v15 =	vshll.u32 v15, $0x4  }
0x116: {  	v29 =	vsel vm12, v40, v34;
	v15 =	vxor.u32 v0, v15;
	vm13 =	veq.f32 v18, v27  }
0x117: {  	vm14 =	vlt.f32 v20, v29;
	v15 =	vnsel vm13, $0xFFFFFFFF, v15  }
0x118: {  	v35 =	vsel vm14, v20, v29;
	(xrf0) =	vmin.scan.msk.u32 $0xffff, v15  }
0x119: {  	(xrf0) =	vmin.scan.msk.f32 $0xffff, v35;
	_ =	sdelay $0x3  }
0x11a: {  	v37 =	vsel vm8, v4, v26  }
0x11b: {  	v15 =	vsel vm11, v7, v37;
	v38, _, _ =	vpop (xrf0)  }
0x11c: {  	vm15 =	vlt.f32 v44, v47;
	v15 =	vsel vm12, v6, v15;
	v39, _, _ =	vpop (xrf0)  }
0x11d: {  	v40 =	vsel vm15, v44, v47;
	v15 =	vsel vm14, v5, v15;
	v26 =	vbroadcast v39, $0xF  }
0x11e: {  	vm6 =	vlt.f32 v42, v40;
	v15 =	vshll.u32 v15, $0x4  }
0x11f: {  	v27 =	vsel vm6, v42, v40;
	v15 =	vxor.u32 v0, v15;
	vm7 =	veq.f32 v35, v26  }
0x120: {  	vm8 =	vlt.f32 v14, v27;
	v15 =	vnsel vm7, $0xFFFFFFFF, v15  }
0x121: {  	v14 =	vsel vm8, v14, v27;
	(xrf0) =	vmin.scan.msk.u32 $0xffff, v15  }
0x122: {  	(xrf0) =	vmin.scan.msk.f32 $0xffff, v14;
	_ =	sdelay $0x3  }
0x123: {  	vm3 =	vlt.f32 v43, v19;
	v42 =	vsel vm10, v4, v24  }
0x124: {  	v44 =	vsel vm3, v43, v19;
	v15 =	vsel vm15, v7, v42;
	v45, _, _ =	vpop (xrf0)  }
0x125: {  	vm9 =	vlt.f32 v41, v44;
	v15 =	vsel vm6, v6, v15;
	v46, _, _ =	vpop (xrf0)  }
0x126: {  	v18 =	vsel vm9, v41, v44;
	v15 =	vsel vm8, v5, v15;
	v24 =	vbroadcast v46, $0xF  }
0x127: {  	vm10 =	vlt.f32 v36, v18;
	v15 =	vshll.u32 v15, $0x4  }
0x128: {  	v18 =	vsel vm10, v36, v18;
	v47 =	vxor.u32 v0, v15;
	vm11 =	veq.f32 v14, v24  }
0x129: {  	vm12 =	vlt.f32 v8, v18;
	v14 =	vnsel vm11, $0xFFFFFFFF, v47  }
0x12a: {  	v48 =	vld [tilespmem:s13+$0x8300];
	v8 =	vsel vm12, v8, v18;
	(xrf0) =	vmin.scan.msk.u32 $0xffff, v14  }
0x12b: {  	(xrf0) =	vmin.scan.msk.f32 $0xffff, v8  }
0x12c: {  	v49 =	vld [tilespmem:s13+$0x8310];
	_ =	sdelay $0x1  }
0x12d: {  	v50 =	vld [tilespmem:s13+$0x8320]  }
0x12e: {  	v21 =	vsel vm3, v4, v21;
	vm13 =	vlt.f32 v48, v23  }
0x12f: {  	v51 =	vld [tilespmem:s13+$0x8330];
	v21 =	vsel vm9, v7, v21;
	v15 =	vsel vm13, v48, v23;
	v52, _, _ =	vpop (xrf0)  }
0x130: {  	v21 =	vsel vm10, v6, v21;
	vm14 =	vlt.f32 v49, v15;
	v53, _, _ =	vpop (xrf0)  }
0x131: {  	v54 =	vsel vm12, v5, v21;
	v14 =	vsel vm14, v49, v15;
	v55 =	vbroadcast v53, $0xF  }
0x132: {  	v15 =	vshll.u32 v54, $0x4;
	vm15 =	vlt.f32 v50, v14  }
0x133: {  	v56 =	vxor.u32 v0, v15;
	v14 =	vsel vm15, v50, v14;
	vm5 =	veq.f32 v8, v55  }
0x134: {  	vm6 =	vlt.f32 v51, v14;
	v8 =	vnsel vm5, $0xFFFFFFFF, v56  }
0x135: {  	v57 =	vld [tilespmem:s13+$0x8380];
	v14 =	vsel vm6, v51, v14;
	(xrf0) =	vmin.scan.msk.u32 $0xffff, v8  }
0x136: {  	(xrf0) =	vmin.scan.msk.f32 $0xffff, v14  }
0x137: {  	v58 =	vld [tilespmem:s13+$0x8390];
	_ =	sdelay $0x1  }
0x138: {  	v59 =	vld [tilespmem:s13+$0x83A0]  }
0x139: {  	v10 =	vsel vm13, v4, v10;
	vm7 =	vlt.f32 v57, v16  }
0x13a: {  	v60 =	vld [tilespmem:s13+$0x83B0];
	v10 =	vsel vm14, v7, v10;
	v15 =	vsel vm7, v57, v16;
	v61, _, _ =	vpop (xrf0)  }
0x13b: {  	vm8 =	vlt.f32 v58, v15;
	v10 =	vsel vm15, v6, v10;
	v62, _, _ =	vpop (xrf0)  }
0x13c: {  	v10 =	vsel vm6, v5, v10;
	v8 =	vsel vm8, v58, v15;
	v63 =	vbroadcast v62, $0xF  }
0x13d: {  	v10 =	vshll.u32 v10, $0x4;
	vm9 =	vlt.f32 v59, v8  }
0x13e: {  	v10 =	vxor.u32 v0, v10;
	v8 =	vsel vm9, v59, v8;
	vm10 =	veq.f32 v14, v63  }
0x13f: {  	vm11 =	vlt.f32 v60, v8;
	v10 =	vnsel vm10, $0xFFFFFFFF, v10  }
0x140: {  	v8 =	vsel vm11, v60, v8;
	(xrf0) =	vmin.scan.msk.u32 $0xffff, v10  }
0x141: {  	(xrf0) =	vmin.scan.msk.f32 $0xffff, v8;
	_ =	sdelay $0x1  }
0x142: {  	(v2sf) =	vpush v3, $0xF;
	v3 =	vsel vm7, v4, v9;
	_ =	sdelay $0x1  }
0x143: {  	(v2sf) =	vpush v1, $0xF  }
0x144: {  	(v2sf) =	vpush v2, $0xF;
	v1 =	vsel vm8, v7, v3;
	v3, _, _ =	vpop (xrf0)  }
0x145: {  	(v2sf) =	vpush v28, $0xF;
	v1 =	vsel vm9, v6, v1;
	v2, _, _ =	vpop (xrf0)  }
0x146: {  	(v2sf) =	vpush v25, $0xF;
	v1 =	vsel vm11, v5, v1;
	v2 =	vbroadcast v2, $0xF  }
0x147: {  	(v2sf) =	vpush v17, $0xF;
	v1 =	vshll.u32 v1, $0x4  }
0x148: {  	(v2sf) =	vpush v13, $0xF;
	v1 =	vxor.u32 v0, v1;
	vm12 =	veq.f32 v8, v2  }
0x149: {  	(v2sf) =	vpush v11, $0xF;
	v1 =	vnsel vm12, $0xFFFFFFFF, v1  }
0x14a: {  	(v2sf) =	vpush v12, $0xF;
	(xrf0) =	vmin.scan.msk.u32 $0xffff, v1  }
0x14b: {  	(v2sf) =	vpush v32, $0xF  }
0x14c: {  	(v2sf) =	vpush v38, $0xF  }
0x14d: {  	(v2sf) =	vpush v45, $0xF  }
0x14e: {  	(v2sf) =	vpush v52, $0xF  }
0x14f: {  	(v2sf) =	vpush v61, $0xF  }
0x150: {  	(v2sf) =	vpush v3, $0xF;
	v1, _, _ =	vpop (xrf0)  }
0x151: {  	s31 =	spop (v2sf);
	(v2sf) =	vpush v1, $0xF  }
0x152: {  	s14 =	spop (v2sf)  }
0x153: {  	s15 =	spop (v2sf)  }
0x154: {  	s16 =	spop (v2sf)  }
0x155: {  	s17 =	spop (v2sf)  }
0x156: {  	s18 =	spop (v2sf)  }
0x157: {  	s19 =	spop (v2sf)  }
0x158: {  	s20 =	spop (v2sf)  }
0x159: {  	s21 =	spop (v2sf)  }
0x15a: {  	s22 =	spop (v2sf)  }
0x15b: {  	s23 =	spop (v2sf)  }
0x15c: {  	s24 =	spop (v2sf)  }
0x15d: {  	s25 =	spop (v2sf)  }
0x15e: {  	s26 =	spop (v2sf)  }
0x15f: {  	s28 =	spop (v2sf)  }
0x160: {  	s29 =	spop (v2sf)  }
0x161: {  	s29 =	sxor.u32 $0x80000000, s29  }
0x162: {  	s13 =	sxor.u32 $0x80000000, s31;
	vm13 =	vcmask $0x300;
	v1 =	vmov s29  }
0x163: {  	s14 =	sxor.u32 $0x80000000, s14;
	vm14 =	vcmask $0x704;
	v1 =	vsel vm13, s13, v1  }
0x164: {  	s15 =	sxor.u32 $0x80000000, s15;
	vm15 =	vcmask $0xB08;
	v1 =	vsel vm14, s14, v1  }
0x165: {  	s16 =	sxor.u32 $0x80000000, s16;
	vm4 =	vcmask $0xF0C;
	v1 =	vsel vm15, s15, v1  }
0x166: {  	s17 =	sxor.u32 $0x80000000, s17;
	vm5 =	vcmask $0x1310;
	v1 =	vsel vm4, s16, v1  }
0x167: {  	s18 =	sxor.u32 $0x80000000, s18;
	vm6 =	vcmask $0x1714;
	v1 =	vsel vm5, s17, v1  }
0x168: {  	s19 =	sxor.u32 $0x80000000, s19;
	vm7 =	vcmask $0x1B18;
	v1 =	vsel vm6, s18, v1  }
0x169: {  	s20 =	sxor.u32 $0x80000000, s20;
	vm8 =	vcmask $0x1F1C;
	v1 =	vsel vm7, s19, v1  }
0x16a: {  	s21 =	sxor.u32 $0x80000000, s21;
	vm9 =	vcmask $0x2320;
	v1 =	vsel vm8, s20, v1  }
0x16b: {  	s22 =	sxor.u32 $0x80000000, s22;
	vm10 =	vcmask $0x2724;
	v1 =	vsel vm9, s21, v1  }
0x16c: {  	s23 =	sxor.u32 $0x80000000, s23;
	vm11 =	vcmask $0x2B28;
	v1 =	vsel vm10, s22, v1  }
0x16d: {  	s24 =	sxor.u32 $0x80000000, s24;
	vm12 =	vcmask $0x2F2C;
	v1 =	vsel vm11, s23, v1  }
0x16e: {  	s29 =	sxor.u32 $0x80000000, s25;
	vm13 =	vcmask $0x3330;
	v1 =	vsel vm12, s24, v1  }
0x16f: {  	s30 =	sxor.u32 $0x80000000, s26;
	vm14 =	vcmask $0x3734;
	v1 =	vsel vm13, s29, v1  }
0x170: {  	s12 =	sadd.s32 $0x1, s12;
	s31 =	sxor.u32 $0x80000000, s28;
	vm15 =	vcmask $0x3B38;
	v1 =	vsel vm14, s30, v1  }
0x171: {  	p0 =	sne.s32 s12, s6;
	v1 =	vsel vm15, s31, v1  }
.Ltmp2:
0x172: {  	[tilespmem:$0x10000] =	vst v1;
	(pc) =	sbr.rel @p0 .LBB2_1-.Ltmp2, $4  }
0x173: {  	[hbm4b:s5+s2] =	stream.linear.scatter [tilespmem:s10], [sflag:$0x3], $0x10, $0x38;
	[tilespmem:$0x10010] =	vst v63  }
0x174: {  	_ =	swait.ge [sflag:s11], $0x10  }
0x175: {  	[sflag:s11] =	ssyncset.done $0x0  }
0x176: {  	[sflag:s11] =	ssyncadd.s32 $0xFFFFFFF0  }
0x177: {  	_ =	sfence.sel $0x180000  }
0x178: {  	[bflag:$0x0] =	sbarrier.arrive $0xFFFF  }
0x179: {  	p0 =	sne.s32 s0, $0x0;
	_ =	strace $0x90000047  }
0x17a: {  	s0 =	sadd.s32 @!p0 $0x100000, s1;
	[bflag:$0x2] =	sbarrier.arrive $0xFFFF  }
0x17b: {  	[sflag:s0] =	ssyncadd.tile.s32 @!p0 $0x1;
	_ =	shalt  }
.Lfunc_end2:
_tile_overlayer_lowered:
.L_overlay_start_2:
0x17c: {  	(tag) =	ssettag $0x2  }
0x17d: {  	s0 =	rddreg [dreg:$0x0];
	s2 =	stileid.u32  }
0x17e: {  	s1 =	rddreg [dreg:$0x1];
	p0 =	sne.s32 s2, $0x0  }
0x17f: {  	s3 =	rddreg [dreg:$0x2];
	[bflag:$0x3] =	sbarrier.arrive $0xFFFF;
	s2 =	simm.s32 @!p0 $0x1C03  }
0x180: {  	[timem:s3], [sflag:s2] =	dma.local @!p0 [hbm:s0], s1  }
0x181: {  	s0 =	simm.s32 @!p0 $0x3  }
0x182: {  	_ =	swait.ge @!p0 [sflag:s0], s1  }
0x183: {  	s1 =	ssub.s32 @!p0 $0x0, s1;
	[sflag:s0] =	ssyncset.done @!p0 $0x0  }
0x184: {  	[sflag:s0] =	ssyncadd.s32 @!p0 s1  }
0x185: {  	[bflag:$0x3] =	sbarrier.arrive $0xFFFF  }
0x186: {  	_ =	shalt  }

</sc_bundles>
